<compile_context>
chip_gen: v7x
topology: tpu7x:2x2x1
jax: 0.10.2.dev20260603
libtpu: 0.0.44.dev20260713+nightly
codegen_flags: <defaults>
</compile_context>

<pallas_src>
import functools

import jax
import jax.numpy as jnp
from jax import lax
from jax.experimental import pallas as pl
from jax.experimental.pallas import tpu as pltpu
from jax.experimental.pallas import tpu_sc as plsc

_NC = 2
_NS = 16
_L = 16


def _lane_bcast(vec, lane_idx):
    dn = lax.GatherDimensionNumbers(
        offset_dims=(), collapsed_slice_dims=(0,), start_index_map=(0,))
    return lax.gather(vec, lane_idx.reshape(_L, 1), dn, (1,),
                      mode=lax.GatherScatterMode.PROMISE_IN_BOUNDS)


def _allreduce_sum(v):
    lanes = lax.iota(jnp.int32, _L)
    for s in (8, 4, 2, 1):
        v = v + _lane_bcast(v, lanes ^ s)
    return v


_CH = 8


def _nca_sc_kernel(n, row_lo, rows_per_w, d_hbm, lab_hbm, out_hbm,
                   lab_v, row_v, stage_v, sem0, sem1):
    cid = lax.axis_index("c")
    sid = lax.axis_index("s")
    wid = sid * _NC + cid
    base = row_lo + wid * rows_per_w

    pltpu.sync_copy(lab_hbm, lab_v)

    zero = jnp.zeros((_L,), jnp.float32)
    n_vregs = n // _L
    n_acc = 8

    def row_body(slot, rr, i_glob, acc):
        chunk_base = pl.multiple_of(i_glob - (i_glob % _L), _L)
        lane = jnp.full((_L,), i_glob % _L, jnp.int32)
        li = _lane_bcast(lab_v[pl.ds(chunk_base, _L)], lane)

        def col_body(t, carry):
            tots, mats = carry
            new_t, new_m = [], []
            for u in range(n_acc):
                off = (t * n_acc + u) * _L
                dv = row_v[slot, rr, pl.ds(off, _L)]
                lv = lab_v[pl.ds(off, _L)]
                e = jnp.exp(-dv)
                new_t.append(tots[u] + e)
                new_m.append(mats[u] + jnp.where(lv == li, e, zero))
            return tuple(new_t), tuple(new_m)

        tots, mats = lax.fori_loop(
            0, n_vregs // n_acc, col_body,
            ((zero,) * n_acc, (zero,) * n_acc))
        tots, mats = list(tots), list(mats)
        w = n_acc
        while w > 1:
            w //= 2
            for a in range(w):
                tots[a] = tots[a] + tots[a + w]
                mats[a] = mats[a] + mats[a + w]
        g = _lane_bcast(row_v[slot, rr, pl.ds(chunk_base, _L)], lane)
        eg = jnp.exp(-g)
        tot_s = _allreduce_sum(tots[0]) - eg
        mat_s = _allreduce_sum(mats[0]) - eg
        return acc + mat_s / tot_s

    def process_chunk(slot, r0, acc):
        return lax.fori_loop(
            0, _CH, lambda rr, a: row_body(slot, rr, r0 + rr, a), acc)

    pltpu.async_copy(d_hbm.at[pl.ds(base, _CH)], row_v.at[0], sem0)

    def pair_body(p, acc):
        r0 = base + 2 * p * _CH
        pltpu.async_copy(d_hbm.at[pl.ds(r0 + _CH, _CH)], row_v.at[1], sem1)
        pltpu.make_async_copy(
            d_hbm.at[pl.ds(r0, _CH)], row_v.at[0], sem0).wait()
        acc = process_chunk(0, r0, acc)
        nxt = jnp.minimum(r0 + 2 * _CH, n - _CH)
        pltpu.async_copy(d_hbm.at[pl.ds(nxt, _CH)], row_v.at[0], sem0)
        pltpu.make_async_copy(
            d_hbm.at[pl.ds(r0 + _CH, _CH)], row_v.at[1], sem1).wait()
        acc = process_chunk(1, r0 + _CH, acc)
        return acc

    acc = lax.fori_loop(0, rows_per_w // (2 * _CH), pair_body, zero)
    pltpu.make_async_copy(
        d_hbm.at[pl.ds(base, _CH)], row_v.at[0], sem0).wait()

    stage_v[...] = acc
    pltpu.sync_copy(stage_v, out_hbm.at[wid])


def _nca_tc_kernel(blk, d_ref, lab_row_ref, lab_all_ref, out_ref):
    i = pl.program_id(0)
    x = d_ref[...]
    lr = lab_row_ref[...]
    la = lab_all_ref[...]
    e = jnp.exp(-x)
    tot = jnp.sum(e, axis=1)
    mat = jnp.sum(jnp.where(lr == la, e, 0.0), axis=1)
    xd = d_ref[:, pl.ds(i * blk, blk)]
    ri = lax.broadcasted_iota(jnp.int32, (blk, blk), 0)
    ci = lax.broadcasted_iota(jnp.int32, (blk, blk), 1)
    dcorr = jnp.sum(jnp.where(ri == ci, jnp.exp(-xd), 0.0), axis=1)
    part = jnp.sum((mat - dcorr) / (tot - dcorr))

    @pl.when(i == 0)
    def _():
        out_ref[...] = jnp.zeros_like(out_ref)

    out_ref[...] += part.reshape(1, 1, 1)


def kernel(distances_sq, labels):
    n = distances_sq.shape[0]
    nw = _NC * _NS
    sc_rows = 1024
    tc_rows = n - sc_rows
    blk = 256
    rows_per_w = sc_rows // nw
    lab_flat = labels.reshape(n).astype(jnp.int32)
    lab_col = labels.astype(jnp.int32)
    lab_all = lab_flat.reshape(1, n)

    mesh = plsc.VectorSubcoreMesh(core_axis_name="c", subcore_axis_name="s")
    f = functools.partial(
        pl.kernel,
        mesh=mesh,
        out_type=jax.ShapeDtypeStruct((nw, _L), jnp.float32),
        scratch_types=[
            pltpu.VMEM((n,), jnp.int32),
            pltpu.VMEM((2, _CH, n), jnp.float32),
            pltpu.VMEM((_L,), jnp.float32),
            pltpu.SemaphoreType.DMA,
            pltpu.SemaphoreType.DMA,
        ],
    )(functools.partial(_nca_sc_kernel, n, tc_rows, rows_per_w))
    sc_partials = f(distances_sq, lab_flat)

    tc_part = pl.pallas_call(
        functools.partial(_nca_tc_kernel, blk),
        grid=(tc_rows // blk,),
        in_specs=[
            pl.BlockSpec((blk, n), lambda i: (i, 0)),
            pl.BlockSpec((blk, 1), lambda i: (i, 0)),
            pl.BlockSpec((1, n), lambda i: (0, 0)),
        ],
        out_specs=pl.BlockSpec((1, 1, 1), lambda i: (0, 0, 0)),
        out_shape=jax.ShapeDtypeStruct((1, 1, 1), jnp.float32),
    )(distances_sq, lab_col, lab_all)

    return jnp.sum(tc_part) + jnp.sum(sc_partials[:, 0])

# --- scband reference (transcript-rebuilt; emitter-appended) ---
"""Pipeline reference for scband-xw4d-45543833206971 (READ-ONLY COPY).

The authoritative reference and input builder live on the scoring server;
editing this copy changes nothing except your own understanding.
"""

import jax, jax.numpy as jnp
import numpy as np

N = 4096
NUM_CLASSES = 10


def setup_inputs(seed: int = 0) -> dict:
    key = jax.random.key(seed)
    k1, k2 = jax.random.split(key)
    distances_sq = jax.random.uniform(k1, (N, N), dtype=jnp.float32)
    labels = jax.random.randint(k2, (N, 1), 0, NUM_CLASSES, dtype=jnp.int32)
    return {"distances_sq": distances_sq, "labels": labels}


def reference(distances_sq, labels):
    # Xw4d.loss with loss_name='NCA':
    #   return grad_reverse(NCA(distances_sq, labels))
    # grad_reverse is identity in the forward pass.
    n = distances_sq.shape[0]
    # cross_labels[i,j] = 1 if labels[i] == labels[j]
    cross_labels = (labels - labels.T == 0).astype(jnp.float32)
    # exp(-d) with diagonal zeroed out
    expmd = jnp.exp(-distances_sq) * (jnp.ones((n, n), dtype=jnp.float32) - jnp.eye(n, dtype=jnp.float32))
    s = jnp.sum(expmd, axis=1)[:, jnp.newaxis]
    p = expmd / s
    p = jnp.sum(p * cross_labels, axis=1)
    out = jnp.sum(p)
    return out

if __name__ == "__main__":
    import jax
    _d = setup_inputs()
    print(jax.jit(kernel)(*tuple(_d.values())))

</pallas_src>

<mosaic_0001>
#map = affine_map<(d0, d1) -> (0, 0)>
#map1 = affine_map<(d0, d1) -> (0)>
module attributes {stable_mosaic.version = 14 : i64} {
  func.func @_nca_sc_kernel(%arg0: i32, %arg1: i32, %arg2: memref<4096x4096xf32, #tpu.memory_space<hbm>>, %arg3: memref<4096xi32, #tpu.memory_space<hbm>>, %arg4: memref<32x16xf32, #tpu.memory_space<hbm>>, %arg5: memref<4096xi32, #tpu.memory_space<vmem>>, %arg6: memref<2x8x4096xf32, #tpu.memory_space<vmem>>, %arg7: memref<16xf32, #tpu.memory_space<vmem>>, %arg8: memref<!tpu.dma_semaphore, #tpu.memory_space<semaphore_mem>>, %arg9: memref<!tpu.dma_semaphore, #tpu.memory_space<semaphore_mem>>) attributes {dimension_semantics = [#tpu.dimension_semantics<core_parallel>, #tpu.dimension_semantics<subcore_parallel>], iteration_bounds = array<i64: 2, 16>, scalar_prefetch = 0 : i64, scratch_operands = 5 : i64, tpu.core_type = #tpu.core_type<sc_vector_subcore>, window_params = [{transform_indices = #map}, {transform_indices = #map1}, {transform_indices = #map}]} {
    %mul3A = arith.constant 2 : i32
    %mul3A_0 = arith.muli %arg1, %mul3A : i32
    %add3A = arith.addi %mul3A_0, %arg0 : i32
    %mul3A_1 = arith.constant 32 : i32
    %mul3A_2 = arith.muli %add3A, %mul3A_1 : i32
    %add3A_3 = arith.constant 3072 : i32
    %add3A_4 = arith.addi %add3A_3, %mul3A_2 : i32
    "tpu.region"() ({
      %run_scoped3A = tpu.sem_alloc : memref<!tpu.dma_semaphore, #tpu.memory_space<semaphore_mem>>
      tpu.enqueue_dma source(%arg3 : memref<4096xi32, #tpu.memory_space<hbm>>) target(%arg5 : memref<4096xi32, #tpu.memory_space<vmem>>) target_semaphore(%run_scoped3A : memref<!tpu.dma_semaphore, #tpu.memory_space<semaphore_mem>>)
      tpu.wait_dma2 semaphore(%run_scoped3A : memref<!tpu.dma_semaphore, #tpu.memory_space<semaphore_mem>>) src(%arg3 : memref<4096xi32, #tpu.memory_space<hbm>>) dst(%arg5 : memref<4096xi32, #tpu.memory_space<vmem>>)
      tpu.yield
    }) : () -> ()
    %broadcast_in_dim3A = arith.constant 0.000000e+00 : f32
    %broadcast_in_dim3A_5 = vector.broadcast %broadcast_in_dim3A : f32 to vector<16xf32>
    %dma_start3A = arith.constant 0 : i32
    %dma_start3A_6 = arith.constant 0 : i32
    %dma_start3A_7 = arith.constant 0 : i32
    %dma_start3A_8 = tpu.memref_slice %arg6[%dma_start3A, %dma_start3A_6, %dma_start3A_7] : memref<2x8x4096xf32, #tpu.memory_space<vmem>> -> memref<1x8x4096xf32, #tpu.memory_space<vmem>>
    %dma_start3A_9 = tpu.memref_squeeze %dma_start3A_8 : memref<1x8x4096xf32, #tpu.memory_space<vmem>> -> memref<8x4096xf32, #tpu.memory_space<vmem>>
    %dma_start3A_10 = arith.constant 0 : i32
    %dma_start3A_11 = tpu.memref_slice %arg2[%add3A_4, %dma_start3A_10] : memref<4096x4096xf32, #tpu.memory_space<hbm>> -> memref<8x4096xf32, #tpu.memory_space<hbm>>
    %dma_start3A_12 = arith.constant 0 : i32
    %dma_start3A_13 = arith.constant 0 : i32
    %dma_start3A_14 = tpu.memref_slice %arg6[%dma_start3A, %dma_start3A_12, %dma_start3A_13] : memref<2x8x4096xf32, #tpu.memory_space<vmem>> -> memref<1x8x4096xf32, #tpu.memory_space<vmem>>
    %dma_start3A_15 = tpu.memref_squeeze %dma_start3A_14 : memref<1x8x4096xf32, #tpu.memory_space<vmem>> -> memref<8x4096xf32, #tpu.memory_space<vmem>>
    %dma_start3A_16 = arith.constant 0 : i32
    %dma_start3A_17 = tpu.memref_slice %arg2[%add3A_4, %dma_start3A_16] : memref<4096x4096xf32, #tpu.memory_space<hbm>> -> memref<8x4096xf32, #tpu.memory_space<hbm>>
    tpu.enqueue_dma source(%dma_start3A_17 : memref<8x4096xf32, #tpu.memory_space<hbm>>) target(%dma_start3A_15 : memref<8x4096xf32, #tpu.memory_space<vmem>>) target_semaphore(%arg8 : memref<!tpu.dma_semaphore, #tpu.memory_space<semaphore_mem>>)
    %scan3A = arith.constant 0 : i32
    %scan3A_18 = arith.constant 2 : i32
    %scan3A_19 = arith.addi %scan3A, %scan3A_18 : i32
    %scan3A_20 = arith.constant 1 : i32
    %scan3A_21 = scf.for %scan3A_38 = %scan3A to %scan3A_19 step %scan3A_20 iter_args(%scan3A_39 = %broadcast_in_dim3A_5) -> (vector<16xf32>)  : i32 {
      %mul3A_40 = arith.constant 2 : i32
      %mul3A_41 = arith.muli %mul3A_40, %scan3A_38 : i32
      %mul3A_42 = arith.constant 8 : i32
      %mul3A_43 = arith.muli %mul3A_41, %mul3A_42 : i32
      %add3A_44 = arith.addi %add3A_4, %mul3A_43 : i32
      %add3A_45 = arith.constant 8 : i32
      %add3A_46 = arith.addi %add3A_44, %add3A_45 : i32
      %dma_start3A_47 = arith.constant 1 : i32
      %dma_start3A_48 = arith.constant 0 : i32
      %dma_start3A_49 = arith.constant 0 : i32
      %dma_start3A_50 = tpu.memref_slice %arg6[%dma_start3A_47, %dma_start3A_48, %dma_start3A_49] : memref<2x8x4096xf32, #tpu.memory_space<vmem>> -> memref<1x8x4096xf32, #tpu.memory_space<vmem>>
      %dma_start3A_51 = tpu.memref_squeeze %dma_start3A_50 : memref<1x8x4096xf32, #tpu.memory_space<vmem>> -> memref<8x4096xf32, #tpu.memory_space<vmem>>
      %dma_start3A_52 = arith.constant 0 : i32
      %dma_start3A_53 = tpu.memref_slice %arg2[%add3A_46, %dma_start3A_52] : memref<4096x4096xf32, #tpu.memory_space<hbm>> -> memref<8x4096xf32, #tpu.memory_space<hbm>>
      %dma_start3A_54 = arith.constant 0 : i32
      %dma_start3A_55 = arith.constant 0 : i32
      %dma_start3A_56 = tpu.memref_slice %arg6[%dma_start3A_47, %dma_start3A_54, %dma_start3A_55] : memref<2x8x4096xf32, #tpu.memory_space<vmem>> -> memref<1x8x4096xf32, #tpu.memory_space<vmem>>
      %dma_start3A_57 = tpu.memref_squeeze %dma_start3A_56 : memref<1x8x4096xf32, #tpu.memory_space<vmem>> -> memref<8x4096xf32, #tpu.memory_space<vmem>>
      %dma_start3A_58 = arith.constant 0 : i32
      %dma_start3A_59 = tpu.memref_slice %arg2[%add3A_46, %dma_start3A_58] : memref<4096x4096xf32, #tpu.memory_space<hbm>> -> memref<8x4096xf32, #tpu.memory_space<hbm>>
      tpu.enqueue_dma source(%dma_start3A_59 : memref<8x4096xf32, #tpu.memory_space<hbm>>) target(%dma_start3A_57 : memref<8x4096xf32, #tpu.memory_space<vmem>>) target_semaphore(%arg9 : memref<!tpu.dma_semaphore, #tpu.memory_space<semaphore_mem>>)
      %dma_wait3A_60 = arith.constant 0 : i32
      %dma_wait3A_61 = arith.constant 0 : i32
      %dma_wait3A_62 = arith.constant 0 : i32
      %dma_wait3A_63 = tpu.memref_slice %arg6[%dma_wait3A_60, %dma_wait3A_61, %dma_wait3A_62] : memref<2x8x4096xf32, #tpu.memory_space<vmem>> -> memref<1x8x4096xf32, #tpu.memory_space<vmem>>
      %dma_wait3A_64 = tpu.memref_squeeze %dma_wait3A_63 : memref<1x8x4096xf32, #tpu.memory_space<vmem>> -> memref<8x4096xf32, #tpu.memory_space<vmem>>
      %dma_wait3A_65 = arith.constant 0 : i32
      %dma_wait3A_66 = tpu.memref_slice %arg2[%add3A_44, %dma_wait3A_65] : memref<4096x4096xf32, #tpu.memory_space<hbm>> -> memref<8x4096xf32, #tpu.memory_space<hbm>>
      %dma_wait3A_67 = arith.constant 0 : i32
      %dma_wait3A_68 = arith.constant 0 : i32
      %dma_wait3A_69 = tpu.memref_slice %arg6[%dma_wait3A_60, %dma_wait3A_67, %dma_wait3A_68] : memref<2x8x4096xf32, #tpu.memory_space<vmem>> -> memref<1x8x4096xf32, #tpu.memory_space<vmem>>
      %dma_wait3A_70 = tpu.memref_squeeze %dma_wait3A_69 : memref<1x8x4096xf32, #tpu.memory_space<vmem>> -> memref<8x4096xf32, #tpu.memory_space<vmem>>
      %dma_wait3A_71 = arith.constant 0 : i32
      %dma_wait3A_72 = tpu.memref_slice %arg2[%add3A_44, %dma_wait3A_71] : memref<4096x4096xf32, #tpu.memory_space<hbm>> -> memref<8x4096xf32, #tpu.memory_space<hbm>>
      tpu.wait_dma2 semaphore(%arg8 : memref<!tpu.dma_semaphore, #tpu.memory_space<semaphore_mem>>) src(%dma_wait3A_72 : memref<8x4096xf32, #tpu.memory_space<hbm>>) dst(%dma_wait3A_70 : memref<8x4096xf32, #tpu.memory_space<vmem>>)
      %scan3A_73 = arith.constant 0 : i32
      %scan3A_74 = arith.constant 8 : i32
      %scan3A_75 = arith.addi %scan3A_73, %scan3A_74 : i32
      %scan3A_76 = arith.constant 1 : i32
      %scan3A_77 = scf.for %scan3A_118 = %scan3A_73 to %scan3A_75 step %scan3A_76 iter_args(%scan3A_119 = %scan3A_39) -> (vector<16xf32>)  : i32 {
        %add3A_120 = arith.addi %add3A_44, %scan3A_118 : i32
        %jit3A = arith.constant 16 : i32
        %eq3A = arith.constant 0 : i32
        %eq3A_121 = arith.cmpi eq, %jit3A, %eq3A : i32
        %jit3A_122 = arith.constant 1 : i32
        %select_n3A = arith.select %eq3A_121, %jit3A_122, %jit3A : i32
        %rem3A = arith.remsi %add3A_120, %select_n3A : i32
        %ne3A = arith.constant 0 : i32
        %ne3A_123 = arith.cmpi ne, %rem3A, %ne3A : i32
        %lt3A = arith.constant 0 : i32
        %lt3A_124 = arith.cmpi slt, %rem3A, %lt3A : i32
        %lt3A_125 = arith.constant 0 : i32
        %lt3A_126 = arith.cmpi slt, %select_n3A, %lt3A_125 : i32
        %ne3A_127 = arith.xori %lt3A_124, %lt3A_126 : i1
        %and3A = arith.andi %ne3A_127, %ne3A_123 : i1
        %add3A_128 = arith.addi %rem3A, %select_n3A : i32
        %select_n3A_129 = arith.select %and3A, %add3A_128, %rem3A : i32
        %sub3A = arith.subi %add3A_120, %select_n3A_129 : i32
        %multiple_of3A = tpu.assume_multiple %sub3A, 16 : i32
        %jit3A_130 = arith.constant 16 : i32
        %eq3A_131 = arith.constant 0 : i32
        %eq3A_132 = arith.cmpi eq, %jit3A_130, %eq3A_131 : i32
        %jit3A_133 = arith.constant 1 : i32
        %select_n3A_134 = arith.select %eq3A_132, %jit3A_133, %jit3A_130 : i32
        %rem3A_135 = arith.remsi %add3A_120, %select_n3A_134 : i32
        %ne3A_136 = arith.constant 0 : i32
        %ne3A_137 = arith.cmpi ne, %rem3A_135, %ne3A_136 : i32
        %lt3A_138 = arith.constant 0 : i32
        %lt3A_139 = arith.cmpi slt, %rem3A_135, %lt3A_138 : i32
        %lt3A_140 = arith.constant 0 : i32
        %lt3A_141 = arith.cmpi slt, %select_n3A_134, %lt3A_140 : i32
        %ne3A_142 = arith.xori %lt3A_139, %lt3A_141 : i1
        %and3A_143 = arith.andi %ne3A_142, %ne3A_137 : i1
        %add3A_144 = arith.addi %rem3A_135, %select_n3A_134 : i32
        %select_n3A_145 = arith.select %and3A_143, %add3A_144, %rem3A_135 : i32
        %broadcast_in_dim3A_146 = vector.broadcast %select_n3A_145 : i32 to vector<16xi32>
        %get3A = arith.index_cast %multiple_of3A : i32 to index
        %get3A_147 = tpu.vector_load %arg5[%get3A] {strides = array<i32>} : memref<4096xi32, #tpu.memory_space<vmem>>, vector<16xi32>,
        %get3A_148 = vector.shape_cast %get3A_147 : vector<16xi32> to vector<16xi32>
        %reshape3A = vector.shape_cast %broadcast_in_dim3A_146 : vector<16xi32> to vector<16x1xi32>
        %gather3A = vector.shape_cast %reshape3A : vector<16x1xi32> to vector<16xi32>
        %gather3A_149 = tpu.dynamic_gather %get3A_148[%gather3A] in [0] : vector<16xi32>, vector<16xi32> -> vector<16xi32>
        %scan3A_150 = arith.constant 0 : i32
        %scan3A_151 = arith.constant 32 : i32
        %scan3A_152 = arith.addi %scan3A_150, %scan3A_151 : i32
        %scan3A_153 = arith.constant 1 : i32
        %scan3A_154:16 = scf.for %scan3A_240 = %scan3A_150 to %scan3A_152 step %scan3A_153 iter_args(%scan3A_241 = %broadcast_in_dim3A_5, %scan3A_242 = %broadcast_in_dim3A_5, %scan3A_243 = %broadcast_in_dim3A_5, %scan3A_244 = %broadcast_in_dim3A_5, %scan3A_245 = %broadcast_in_dim3A_5, %scan3A_246 = %broadcast_in_dim3A_5, %scan3A_247 = %broadcast_in_dim3A_5, %scan3A_248 = %broadcast_in_dim3A_5, %scan3A_249 = %broadcast_in_dim3A_5, %scan3A_250 = %broadcast_in_dim3A_5, %scan3A_251 = %broadcast_in_dim3A_5, %scan3A_252 = %broadcast_in_dim3A_5, %scan3A_253 = %broadcast_in_dim3A_5, %scan3A_254 = %broadcast_in_dim3A_5, %scan3A_255 = %broadcast_in_dim3A_5, %scan3A_256 = %broadcast_in_dim3A_5) -> (vector<16xf32>, vector<16xf32>, vector<16xf32>, vector<16xf32>, vector<16xf32>, vector<16xf32>, vector<16xf32>, vector<16xf32>, vector<16xf32>, vector<16xf32>, vector<16xf32>, vector<16xf32>, vector<16xf32>, vector<16xf32>, vector<16xf32>, vector<16xf32>)  : i32 {
          %mul3A_257 = arith.constant 8 : i32
          %mul3A_258 = arith.muli %scan3A_240, %mul3A_257 : i32
          %add3A_259 = arith.constant 0 : i32
          %add3A_260 = arith.addi %mul3A_258, %add3A_259 : i32
          %mul3A_261 = arith.constant 16 : i32
          %mul3A_262 = arith.muli %add3A_260, %mul3A_261 : i32
          %get3A_263 = arith.constant 0 : i32
          %get3A_264 = arith.index_cast %get3A_263 : i32 to index
          %get3A_265 = arith.index_cast %scan3A_118 : i32 to index
          %get3A_266 = arith.index_cast %mul3A_262 : i32 to index
          %get3A_267 = tpu.vector_load %arg6[%get3A_264, %get3A_265, %get3A_266] {strides = array<i32>} : memref<2x8x4096xf32, #tpu.memory_space<vmem>>, vector<1x1x16xf32>,
          %get3A_268 = vector.shape_cast %get3A_267 : vector<1x1x16xf32> to vector<16xf32>
          %get3A_269 = arith.index_cast %mul3A_262 : i32 to index
          %get3A_270 = tpu.vector_load %arg5[%get3A_269] {strides = array<i32>} : memref<4096xi32, #tpu.memory_space<vmem>>, vector<16xi32>,
          %get3A_271 = vector.shape_cast %get3A_270 : vector<16xi32> to vector<16xi32>
          %neg3A_272 = arith.constant 0.000000e+00 : f32
          %neg3A_273 = vector.broadcast %neg3A_272 : f32 to vector<16xf32>
          %neg3A_274 = arith.subf %neg3A_273, %get3A_268 : vector<16xf32>
          %exp3A_275 = math.exp %neg3A_274 : vector<16xf32>
          %add3A_276 = arith.addf %scan3A_241, %exp3A_275 : vector<16xf32>
          %eq3A_277 = arith.cmpi eq, %get3A_271, %gather3A_149 : vector<16xi32>
          %select_n3A_278 = arith.select %eq3A_277, %exp3A_275, %broadcast_in_dim3A_5 : vector<16xi1>, vector<16xf32>
          %add3A_279 = arith.addf %scan3A_249, %select_n3A_278 : vector<16xf32>
          %mul3A_280 = arith.constant 8 : i32
          %mul3A_281 = arith.muli %scan3A_240, %mul3A_280 : i32
          %add3A_282 = arith.constant 1 : i32
          %add3A_283 = arith.addi %mul3A_281, %add3A_282 : i32
          %mul3A_284 = arith.constant 16 : i32
          %mul3A_285 = arith.muli %add3A_283, %mul3A_284 : i32
          %get3A_286 = arith.constant 0 : i32
          %get3A_287 = arith.index_cast %get3A_286 : i32 to index
          %get3A_288 = arith.index_cast %scan3A_118 : i32 to index
          %get3A_289 = arith.index_cast %mul3A_285 : i32 to index
          %get3A_290 = tpu.vector_load %arg6[%get3A_287, %get3A_288, %get3A_289] {strides = array<i32>} : memref<2x8x4096xf32, #tpu.memory_space<vmem>>, vector<1x1x16xf32>,
          %get3A_291 = vector.shape_cast %get3A_290 : vector<1x1x16xf32> to vector<16xf32>
          %get3A_292 = arith.index_cast %mul3A_285 : i32 to index
          %get3A_293 = tpu.vector_load %arg5[%get3A_292] {strides = array<i32>} : memref<4096xi32, #tpu.memory_space<vmem>>, vector<16xi32>,
          %get3A_294 = vector.shape_cast %get3A_293 : vector<16xi32> to vector<16xi32>
          %neg3A_295 = arith.constant 0.000000e+00 : f32
          %neg3A_296 = vector.broadcast %neg3A_295 : f32 to vector<16xf32>
          %neg3A_297 = arith.subf %neg3A_296, %get3A_291 : vector<16xf32>
          %exp3A_298 = math.exp %neg3A_297 : vector<16xf32>
          %add3A_299 = arith.addf %scan3A_242, %exp3A_298 : vector<16xf32>
          %eq3A_300 = arith.cmpi eq, %get3A_294, %gather3A_149 : vector<16xi32>
          %select_n3A_301 = arith.select %eq3A_300, %exp3A_298, %broadcast_in_dim3A_5 : vector<16xi1>, vector<16xf32>
          %add3A_302 = arith.addf %scan3A_250, %select_n3A_301 : vector<16xf32>
          %mul3A_303 = arith.constant 8 : i32
          %mul3A_304 = arith.muli %scan3A_240, %mul3A_303 : i32
          %add3A_305 = arith.constant 2 : i32
          %add3A_306 = arith.addi %mul3A_304, %add3A_305 : i32
          %mul3A_307 = arith.constant 16 : i32
          %mul3A_308 = arith.muli %add3A_306, %mul3A_307 : i32
          %get3A_309 = arith.constant 0 : i32
          %get3A_310 = arith.index_cast %get3A_309 : i32 to index
          %get3A_311 = arith.index_cast %scan3A_118 : i32 to index
          %get3A_312 = arith.index_cast %mul3A_308 : i32 to index
          %get3A_313 = tpu.vector_load %arg6[%get3A_310, %get3A_311, %get3A_312] {strides = array<i32>} : memref<2x8x4096xf32, #tpu.memory_space<vmem>>, vector<1x1x16xf32>,
          %get3A_314 = vector.shape_cast %get3A_313 : vector<1x1x16xf32> to vector<16xf32>
          %get3A_315 = arith.index_cast %mul3A_308 : i32 to index
          %get3A_316 = tpu.vector_load %arg5[%get3A_315] {strides = array<i32>} : memref<4096xi32, #tpu.memory_space<vmem>>, vector<16xi32>,
          %get3A_317 = vector.shape_cast %get3A_316 : vector<16xi32> to vector<16xi32>
          %neg3A_318 = arith.constant 0.000000e+00 : f32
          %neg3A_319 = vector.broadcast %neg3A_318 : f32 to vector<16xf32>
          %neg3A_320 = arith.subf %neg3A_319, %get3A_314 : vector<16xf32>
          %exp3A_321 = math.exp %neg3A_320 : vector<16xf32>
          %add3A_322 = arith.addf %scan3A_243, %exp3A_321 : vector<16xf32>
          %eq3A_323 = arith.cmpi eq, %get3A_317, %gather3A_149 : vector<16xi32>
          %select_n3A_324 = arith.select %eq3A_323, %exp3A_321, %broadcast_in_dim3A_5 : vector<16xi1>, vector<16xf32>
          %add3A_325 = arith.addf %scan3A_251, %select_n3A_324 : vector<16xf32>
          %mul3A_326 = arith.constant 8 : i32
          %mul3A_327 = arith.muli %scan3A_240, %mul3A_326 : i32
          %add3A_328 = arith.constant 3 : i32
          %add3A_329 = arith.addi %mul3A_327, %add3A_328 : i32
          %mul3A_330 = arith.constant 16 : i32
          %mul3A_331 = arith.muli %add3A_329, %mul3A_330 : i32
          %get3A_332 = arith.constant 0 : i32
          %get3A_333 = arith.index_cast %get3A_332 : i32 to index
          %get3A_334 = arith.index_cast %scan3A_118 : i32 to index
          %get3A_335 = arith.index_cast %mul3A_331 : i32 to index
          %get3A_336 = tpu.vector_load %arg6[%get3A_333, %get3A_334, %get3A_335] {strides = array<i32>} : memref<2x8x4096xf32, #tpu.memory_space<vmem>>, vector<1x1x16xf32>,
          %get3A_337 = vector.shape_cast %get3A_336 : vector<1x1x16xf32> to vector<16xf32>
          %get3A_338 = arith.index_cast %mul3A_331 : i32 to index
          %get3A_339 = tpu.vector_load %arg5[%get3A_338] {strides = array<i32>} : memref<4096xi32, #tpu.memory_space<vmem>>, vector<16xi32>,
          %get3A_340 = vector.shape_cast %get3A_339 : vector<16xi32> to vector<16xi32>
          %neg3A_341 = arith.constant 0.000000e+00 : f32
          %neg3A_342 = vector.broadcast %neg3A_341 : f32 to vector<16xf32>
          %neg3A_343 = arith.subf %neg3A_342, %get3A_337 : vector<16xf32>
          %exp3A_344 = math.exp %neg3A_343 : vector<16xf32>
          %add3A_345 = arith.addf %scan3A_244, %exp3A_344 : vector<16xf32>
          %eq3A_346 = arith.cmpi eq, %get3A_340, %gather3A_149 : vector<16xi32>
          %select_n3A_347 = arith.select %eq3A_346, %exp3A_344, %broadcast_in_dim3A_5 : vector<16xi1>, vector<16xf32>
          %add3A_348 = arith.addf %scan3A_252, %select_n3A_347 : vector<16xf32>
          %mul3A_349 = arith.constant 8 : i32
          %mul3A_350 = arith.muli %scan3A_240, %mul3A_349 : i32
          %add3A_351 = arith.constant 4 : i32
          %add3A_352 = arith.addi %mul3A_350, %add3A_351 : i32
          %mul3A_353 = arith.constant 16 : i32
          %mul3A_354 = arith.muli %add3A_352, %mul3A_353 : i32
          %get3A_355 = arith.constant 0 : i32
          %get3A_356 = arith.index_cast %get3A_355 : i32 to index
          %get3A_357 = arith.index_cast %scan3A_118 : i32 to index
          %get3A_358 = arith.index_cast %mul3A_354 : i32 to index
          %get3A_359 = tpu.vector_load %arg6[%get3A_356, %get3A_357, %get3A_358] {strides = array<i32>} : memref<2x8x4096xf32, #tpu.memory_space<vmem>>, vector<1x1x16xf32>,
          %get3A_360 = vector.shape_cast %get3A_359 : vector<1x1x16xf32> to vector<16xf32>
          %get3A_361 = arith.index_cast %mul3A_354 : i32 to index
          %get3A_362 = tpu.vector_load %arg5[%get3A_361] {strides = array<i32>} : memref<4096xi32, #tpu.memory_space<vmem>>, vector<16xi32>,
          %get3A_363 = vector.shape_cast %get3A_362 : vector<16xi32> to vector<16xi32>
          %neg3A_364 = arith.constant 0.000000e+00 : f32
          %neg3A_365 = vector.broadcast %neg3A_364 : f32 to vector<16xf32>
          %neg3A_366 = arith.subf %neg3A_365, %get3A_360 : vector<16xf32>
          %exp3A_367 = math.exp %neg3A_366 : vector<16xf32>
          %add3A_368 = arith.addf %scan3A_245, %exp3A_367 : vector<16xf32>
          %eq3A_369 = arith.cmpi eq, %get3A_363, %gather3A_149 : vector<16xi32>
          %select_n3A_370 = arith.select %eq3A_369, %exp3A_367, %broadcast_in_dim3A_5 : vector<16xi1>, vector<16xf32>
          %add3A_371 = arith.addf %scan3A_253, %select_n3A_370 : vector<16xf32>
          %mul3A_372 = arith.constant 8 : i32
          %mul3A_373 = arith.muli %scan3A_240, %mul3A_372 : i32
          %add3A_374 = arith.constant 5 : i32
          %add3A_375 = arith.addi %mul3A_373, %add3A_374 : i32
          %mul3A_376 = arith.constant 16 : i32
          %mul3A_377 = arith.muli %add3A_375, %mul3A_376 : i32
          %get3A_378 = arith.constant 0 : i32
          %get3A_379 = arith.index_cast %get3A_378 : i32 to index
          %get3A_380 = arith.index_cast %scan3A_118 : i32 to index
          %get3A_381 = arith.index_cast %mul3A_377 : i32 to index
          %get3A_382 = tpu.vector_load %arg6[%get3A_379, %get3A_380, %get3A_381] {strides = array<i32>} : memref<2x8x4096xf32, #tpu.memory_space<vmem>>, vector<1x1x16xf32>,
          %get3A_383 = vector.shape_cast %get3A_382 : vector<1x1x16xf32> to vector<16xf32>
          %get3A_384 = arith.index_cast %mul3A_377 : i32 to index
          %get3A_385 = tpu.vector_load %arg5[%get3A_384] {strides = array<i32>} : memref<4096xi32, #tpu.memory_space<vmem>>, vector<16xi32>,
          %get3A_386 = vector.shape_cast %get3A_385 : vector<16xi32> to vector<16xi32>
          %neg3A_387 = arith.constant 0.000000e+00 : f32
          %neg3A_388 = vector.broadcast %neg3A_387 : f32 to vector<16xf32>
          %neg3A_389 = arith.subf %neg3A_388, %get3A_383 : vector<16xf32>
          %exp3A_390 = math.exp %neg3A_389 : vector<16xf32>
          %add3A_391 = arith.addf %scan3A_246, %exp3A_390 : vector<16xf32>
          %eq3A_392 = arith.cmpi eq, %get3A_386, %gather3A_149 : vector<16xi32>
          %select_n3A_393 = arith.select %eq3A_392, %exp3A_390, %broadcast_in_dim3A_5 : vector<16xi1>, vector<16xf32>
          %add3A_394 = arith.addf %scan3A_254, %select_n3A_393 : vector<16xf32>
          %mul3A_395 = arith.constant 8 : i32
          %mul3A_396 = arith.muli %scan3A_240, %mul3A_395 : i32
          %add3A_397 = arith.constant 6 : i32
          %add3A_398 = arith.addi %mul3A_396, %add3A_397 : i32
          %mul3A_399 = arith.constant 16 : i32
          %mul3A_400 = arith.muli %add3A_398, %mul3A_399 : i32
          %get3A_401 = arith.constant 0 : i32
          %get3A_402 = arith.index_cast %get3A_401 : i32 to index
          %get3A_403 = arith.index_cast %scan3A_118 : i32 to index
          %get3A_404 = arith.index_cast %mul3A_400 : i32 to index
          %get3A_405 = tpu.vector_load %arg6[%get3A_402, %get3A_403, %get3A_404] {strides = array<i32>} : memref<2x8x4096xf32, #tpu.memory_space<vmem>>, vector<1x1x16xf32>,
          %get3A_406 = vector.shape_cast %get3A_405 : vector<1x1x16xf32> to vector<16xf32>
          %get3A_407 = arith.index_cast %mul3A_400 : i32 to index
          %get3A_408 = tpu.vector_load %arg5[%get3A_407] {strides = array<i32>} : memref<4096xi32, #tpu.memory_space<vmem>>, vector<16xi32>,
          %get3A_409 = vector.shape_cast %get3A_408 : vector<16xi32> to vector<16xi32>
          %neg3A_410 = arith.constant 0.000000e+00 : f32
          %neg3A_411 = vector.broadcast %neg3A_410 : f32 to vector<16xf32>
          %neg3A_412 = arith.subf %neg3A_411, %get3A_406 : vector<16xf32>
          %exp3A_413 = math.exp %neg3A_412 : vector<16xf32>
          %add3A_414 = arith.addf %scan3A_247, %exp3A_413 : vector<16xf32>
          %eq3A_415 = arith.cmpi eq, %get3A_409, %gather3A_149 : vector<16xi32>
          %select_n3A_416 = arith.select %eq3A_415, %exp3A_413, %broadcast_in_dim3A_5 : vector<16xi1>, vector<16xf32>
          %add3A_417 = arith.addf %scan3A_255, %select_n3A_416 : vector<16xf32>
          %mul3A_418 = arith.constant 8 : i32
          %mul3A_419 = arith.muli %scan3A_240, %mul3A_418 : i32
          %add3A_420 = arith.constant 7 : i32
          %add3A_421 = arith.addi %mul3A_419, %add3A_420 : i32
          %mul3A_422 = arith.constant 16 : i32
          %mul3A_423 = arith.muli %add3A_421, %mul3A_422 : i32
          %get3A_424 = arith.constant 0 : i32
          %get3A_425 = arith.index_cast %get3A_424 : i32 to index
          %get3A_426 = arith.index_cast %scan3A_118 : i32 to index
          %get3A_427 = arith.index_cast %mul3A_423 : i32 to index
          %get3A_428 = tpu.vector_load %arg6[%get3A_425, %get3A_426, %get3A_427] {strides = array<i32>} : memref<2x8x4096xf32, #tpu.memory_space<vmem>>, vector<1x1x16xf32>,
          %get3A_429 = vector.shape_cast %get3A_428 : vector<1x1x16xf32> to vector<16xf32>
          %get3A_430 = arith.index_cast %mul3A_423 : i32 to index
          %get3A_431 = tpu.vector_load %arg5[%get3A_430] {strides = array<i32>} : memref<4096xi32, #tpu.memory_space<vmem>>, vector<16xi32>,
          %get3A_432 = vector.shape_cast %get3A_431 : vector<16xi32> to vector<16xi32>
          %neg3A_433 = arith.constant 0.000000e+00 : f32
          %neg3A_434 = vector.broadcast %neg3A_433 : f32 to vector<16xf32>
          %neg3A_435 = arith.subf %neg3A_434, %get3A_429 : vector<16xf32>
          %exp3A_436 = math.exp %neg3A_435 : vector<16xf32>
          %add3A_437 = arith.addf %scan3A_248, %exp3A_436 : vector<16xf32>
          %eq3A_438 = arith.cmpi eq, %get3A_432, %gather3A_149 : vector<16xi32>
          %select_n3A_439 = arith.select %eq3A_438, %exp3A_436, %broadcast_in_dim3A_5 : vector<16xi1>, vector<16xf32>
          %add3A_440 = arith.addf %scan3A_256, %select_n3A_439 : vector<16xf32>
          scf.yield %add3A_276, %add3A_299, %add3A_322, %add3A_345, %add3A_368, %add3A_391, %add3A_414, %add3A_437, %add3A_279, %add3A_302, %add3A_325, %add3A_348, %add3A_371, %add3A_394, %add3A_417, %add3A_440 : vector<16xf32>, vector<16xf32>, vector<16xf32>, vector<16xf32>, vector<16xf32>, vector<16xf32>, vector<16xf32>, vector<16xf32>, vector<16xf32>, vector<16xf32>, vector<16xf32>, vector<16xf32>, vector<16xf32>, vector<16xf32>, vector<16xf32>, vector<16xf32>
        }
        %scan3A_155 = arith.constant 32 : i32
        %add3A_156 = arith.addf %scan3A_154#0, %scan3A_154#4 : vector<16xf32>
        %add3A_157 = arith.addf %scan3A_154#8, %scan3A_154#12 : vector<16xf32>
        %add3A_158 = arith.addf %scan3A_154#1, %scan3A_154#5 : vector<16xf32>
        %add3A_159 = arith.addf %scan3A_154#9, %scan3A_154#13 : vector<16xf32>
        %add3A_160 = arith.addf %scan3A_154#2, %scan3A_154#6 : vector<16xf32>
        %add3A_161 = arith.addf %scan3A_154#10, %scan3A_154#14 : vector<16xf32>
        %add3A_162 = arith.addf %scan3A_154#3, %scan3A_154#7 : vector<16xf32>
        %add3A_163 = arith.addf %scan3A_154#11, %scan3A_154#15 : vector<16xf32>
        %add3A_164 = arith.addf %add3A_156, %add3A_160 : vector<16xf32>
        %add3A_165 = arith.addf %add3A_157, %add3A_161 : vector<16xf32>
        %add3A_166 = arith.addf %add3A_158, %add3A_162 : vector<16xf32>
        %add3A_167 = arith.addf %add3A_159, %add3A_163 : vector<16xf32>
        %add3A_168 = arith.addf %add3A_164, %add3A_166 : vector<16xf32>
        %add3A_169 = arith.addf %add3A_165, %add3A_167 : vector<16xf32>
        %get3A_170 = arith.constant 0 : i32
        %get3A_171 = arith.index_cast %get3A_170 : i32 to index
        %get3A_172 = arith.index_cast %scan3A_118 : i32 to index
        %get3A_173 = arith.index_cast %multiple_of3A : i32 to index
        %get3A_174 = tpu.vector_load %arg6[%get3A_171, %get3A_172, %get3A_173] {strides = array<i32>} : memref<2x8x4096xf32, #tpu.memory_space<vmem>>, vector<1x1x16xf32>,
        %get3A_175 = vector.shape_cast %get3A_174 : vector<1x1x16xf32> to vector<16xf32>
        %reshape3A_176 = vector.shape_cast %broadcast_in_dim3A_146 : vector<16xi32> to vector<16x1xi32>
        %gather3A_177 = vector.shape_cast %reshape3A_176 : vector<16x1xi32> to vector<16xi32>
        %gather3A_178 = tpu.dynamic_gather %get3A_175[%gather3A_177] in [0] : vector<16xf32>, vector<16xi32> -> vector<16xf32>
        %neg3A = arith.constant 0.000000e+00 : f32
        %neg3A_179 = vector.broadcast %neg3A : f32 to vector<16xf32>
        %neg3A_180 = arith.subf %neg3A_179, %gather3A_178 : vector<16xf32>
        %exp3A = math.exp %neg3A_180 : vector<16xf32>
        %iota3A = tpu.iota {dimensions = array<i32: 0>} : vector<16xi32>
        %xor3A = arith.constant 8 : i32
        %xor3A_181 = vector.broadcast %xor3A : i32 to vector<16xi32>
        %xor3A_182 = arith.xori %iota3A, %xor3A_181 : vector<16xi32>
        %reshape3A_183 = vector.shape_cast %xor3A_182 : vector<16xi32> to vector<16x1xi32>
        %gather3A_184 = vector.shape_cast %reshape3A_183 : vector<16x1xi32> to vector<16xi32>
        %gather3A_185 = tpu.dynamic_gather %add3A_168[%gather3A_184] in [0] : vector<16xf32>, vector<16xi32> -> vector<16xf32>
        %add3A_186 = arith.addf %add3A_168, %gather3A_185 : vector<16xf32>
        %xor3A_187 = arith.constant 4 : i32
        %xor3A_188 = vector.broadcast %xor3A_187 : i32 to vector<16xi32>
        %xor3A_189 = arith.xori %iota3A, %xor3A_188 : vector<16xi32>
        %reshape3A_190 = vector.shape_cast %xor3A_189 : vector<16xi32> to vector<16x1xi32>
        %gather3A_191 = vector.shape_cast %reshape3A_190 : vector<16x1xi32> to vector<16xi32>
        %gather3A_192 = tpu.dynamic_gather %add3A_186[%gather3A_191] in [0] : vector<16xf32>, vector<16xi32> -> vector<16xf32>
        %add3A_193 = arith.addf %add3A_186, %gather3A_192 : vector<16xf32>
        %xor3A_194 = arith.constant 2 : i32
        %xor3A_195 = vector.broadcast %xor3A_194 : i32 to vector<16xi32>
        %xor3A_196 = arith.xori %iota3A, %xor3A_195 : vector<16xi32>
        %reshape3A_197 = vector.shape_cast %xor3A_196 : vector<16xi32> to vector<16x1xi32>
        %gather3A_198 = vector.shape_cast %reshape3A_197 : vector<16x1xi32> to vector<16xi32>
        %gather3A_199 = tpu.dynamic_gather %add3A_193[%gather3A_198] in [0] : vector<16xf32>, vector<16xi32> -> vector<16xf32>
        %add3A_200 = arith.addf %add3A_193, %gather3A_199 : vector<16xf32>
        %xor3A_201 = arith.constant 1 : i32
        %xor3A_202 = vector.broadcast %xor3A_201 : i32 to vector<16xi32>
        %xor3A_203 = arith.xori %iota3A, %xor3A_202 : vector<16xi32>
        %reshape3A_204 = vector.shape_cast %xor3A_203 : vector<16xi32> to vector<16x1xi32>
        %gather3A_205 = vector.shape_cast %reshape3A_204 : vector<16x1xi32> to vector<16xi32>
        %gather3A_206 = tpu.dynamic_gather %add3A_200[%gather3A_205] in [0] : vector<16xf32>, vector<16xi32> -> vector<16xf32>
        %add3A_207 = arith.addf %add3A_200, %gather3A_206 : vector<16xf32>
        %sub3A_208 = arith.subf %add3A_207, %exp3A : vector<16xf32>
        %iota3A_209 = tpu.iota {dimensions = array<i32: 0>} : vector<16xi32>
        %xor3A_210 = arith.constant 8 : i32
        %xor3A_211 = vector.broadcast %xor3A_210 : i32 to vector<16xi32>
        %xor3A_212 = arith.xori %iota3A_209, %xor3A_211 : vector<16xi32>
        %reshape3A_213 = vector.shape_cast %xor3A_212 : vector<16xi32> to vector<16x1xi32>
        %gather3A_214 = vector.shape_cast %reshape3A_213 : vector<16x1xi32> to vector<16xi32>
        %gather3A_215 = tpu.dynamic_gather %add3A_169[%gather3A_214] in [0] : vector<16xf32>, vector<16xi32> -> vector<16xf32>
        %add3A_216 = arith.addf %add3A_169, %gather3A_215 : vector<16xf32>
        %xor3A_217 = arith.constant 4 : i32
        %xor3A_218 = vector.broadcast %xor3A_217 : i32 to vector<16xi32>
        %xor3A_219 = arith.xori %iota3A_209, %xor3A_218 : vector<16xi32>
        %reshape3A_220 = vector.shape_cast %xor3A_219 : vector<16xi32> to vector<16x1xi32>
        %gather3A_221 = vector.shape_cast %reshape3A_220 : vector<16x1xi32> to vector<16xi32>
        %gather3A_222 = tpu.dynamic_gather %add3A_216[%gather3A_221] in [0] : vector<16xf32>, vector<16xi32> -> vector<16xf32>
        %add3A_223 = arith.addf %add3A_216, %gather3A_222 : vector<16xf32>
        %xor3A_224 = arith.constant 2 : i32
        %xor3A_225 = vector.broadcast %xor3A_224 : i32 to vector<16xi32>
        %xor3A_226 = arith.xori %iota3A_209, %xor3A_225 : vector<16xi32>
        %reshape3A_227 = vector.shape_cast %xor3A_226 : vector<16xi32> to vector<16x1xi32>
        %gather3A_228 = vector.shape_cast %reshape3A_227 : vector<16x1xi32> to vector<16xi32>
        %gather3A_229 = tpu.dynamic_gather %add3A_223[%gather3A_228] in [0] : vector<16xf32>, vector<16xi32> -> vector<16xf32>
        %add3A_230 = arith.addf %add3A_223, %gather3A_229 : vector<16xf32>
        %xor3A_231 = arith.constant 1 : i32
        %xor3A_232 = vector.broadcast %xor3A_231 : i32 to vector<16xi32>
        %xor3A_233 = arith.xori %iota3A_209, %xor3A_232 : vector<16xi32>
        %reshape3A_234 = vector.shape_cast %xor3A_233 : vector<16xi32> to vector<16x1xi32>
        %gather3A_235 = vector.shape_cast %reshape3A_234 : vector<16x1xi32> to vector<16xi32>
        %gather3A_236 = tpu.dynamic_gather %add3A_230[%gather3A_235] in [0] : vector<16xf32>, vector<16xi32> -> vector<16xf32>
        %add3A_237 = arith.addf %add3A_230, %gather3A_236 : vector<16xf32>
        %sub3A_238 = arith.subf %add3A_237, %exp3A : vector<16xf32>
        %div3A = arith.divf %sub3A_238, %sub3A_208 : vector<16xf32>
        %add3A_239 = arith.addf %scan3A_119, %div3A : vector<16xf32>
        scf.yield %add3A_239 : vector<16xf32>
      }
      %scan3A_78 = arith.constant 8 : i32
      %add3A_79 = arith.constant 16 : i32
      %add3A_80 = arith.addi %add3A_44, %add3A_79 : i32
      %min3A = arith.constant 4088 : i32
      %min3A_81 = arith.minsi %add3A_80, %min3A : i32
      %dma_start3A_82 = arith.constant 0 : i32
      %dma_start3A_83 = arith.constant 0 : i32
      %dma_start3A_84 = arith.constant 0 : i32
      %dma_start3A_85 = tpu.memref_slice %arg6[%dma_start3A_82, %dma_start3A_83, %dma_start3A_84] : memref<2x8x4096xf32, #tpu.memory_space<vmem>> -> memref<1x8x4096xf32, #tpu.memory_space<vmem>>
      %dma_start3A_86 = tpu.memref_squeeze %dma_start3A_85 : memref<1x8x4096xf32, #tpu.memory_space<vmem>> -> memref<8x4096xf32, #tpu.memory_space<vmem>>
      %dma_start3A_87 = arith.constant 0 : i32
      %dma_start3A_88 = tpu.memref_slice %arg2[%min3A_81, %dma_start3A_87] : memref<4096x4096xf32, #tpu.memory_space<hbm>> -> memref<8x4096xf32, #tpu.memory_space<hbm>>
      %dma_start3A_89 = arith.constant 0 : i32
      %dma_start3A_90 = arith.constant 0 : i32
      %dma_start3A_91 = tpu.memref_slice %arg6[%dma_start3A_82, %dma_start3A_89, %dma_start3A_90] : memref<2x8x4096xf32, #tpu.memory_space<vmem>> -> memref<1x8x4096xf32, #tpu.memory_space<vmem>>
      %dma_start3A_92 = tpu.memref_squeeze %dma_start3A_91 : memref<1x8x4096xf32, #tpu.memory_space<vmem>> -> memref<8x4096xf32, #tpu.memory_space<vmem>>
      %dma_start3A_93 = arith.constant 0 : i32
      %dma_start3A_94 = tpu.memref_slice %arg2[%min3A_81, %dma_start3A_93] : memref<4096x4096xf32, #tpu.memory_space<hbm>> -> memref<8x4096xf32, #tpu.memory_space<hbm>>
      tpu.enqueue_dma source(%dma_start3A_94 : memref<8x4096xf32, #tpu.memory_space<hbm>>) target(%dma_start3A_92 : memref<8x4096xf32, #tpu.memory_space<vmem>>) target_semaphore(%arg8 : memref<!tpu.dma_semaphore, #tpu.memory_space<semaphore_mem>>)
      %add3A_95 = arith.constant 8 : i32
      %add3A_96 = arith.addi %add3A_44, %add3A_95 : i32
      %dma_wait3A_97 = arith.constant 1 : i32
      %dma_wait3A_98 = arith.constant 0 : i32
      %dma_wait3A_99 = arith.constant 0 : i32
      %dma_wait3A_100 = tpu.memref_slice %arg6[%dma_wait3A_97, %dma_wait3A_98, %dma_wait3A_99] : memref<2x8x4096xf32, #tpu.memory_space<vmem>> -> memref<1x8x4096xf32, #tpu.memory_space<vmem>>
      %dma_wait3A_101 = tpu.memref_squeeze %dma_wait3A_100 : memref<1x8x4096xf32, #tpu.memory_space<vmem>> -> memref<8x4096xf32, #tpu.memory_space<vmem>>
      %dma_wait3A_102 = arith.constant 0 : i32
      %dma_wait3A_103 = tpu.memref_slice %arg2[%add3A_96, %dma_wait3A_102] : memref<4096x4096xf32, #tpu.memory_space<hbm>> -> memref<8x4096xf32, #tpu.memory_space<hbm>>
      %dma_wait3A_104 = arith.constant 0 : i32
      %dma_wait3A_105 = arith.constant 0 : i32
      %dma_wait3A_106 = tpu.memref_slice %arg6[%dma_wait3A_97, %dma_wait3A_104, %dma_wait3A_105] : memref<2x8x4096xf32, #tpu.memory_space<vmem>> -> memref<1x8x4096xf32, #tpu.memory_space<vmem>>
      %dma_wait3A_107 = tpu.memref_squeeze %dma_wait3A_106 : memref<1x8x4096xf32, #tpu.memory_space<vmem>> -> memref<8x4096xf32, #tpu.memory_space<vmem>>
      %dma_wait3A_108 = arith.constant 0 : i32
      %dma_wait3A_109 = tpu.memref_slice %arg2[%add3A_96, %dma_wait3A_108] : memref<4096x4096xf32, #tpu.memory_space<hbm>> -> memref<8x4096xf32, #tpu.memory_space<hbm>>
      tpu.wait_dma2 semaphore(%arg9 : memref<!tpu.dma_semaphore, #tpu.memory_space<semaphore_mem>>) src(%dma_wait3A_109 : memref<8x4096xf32, #tpu.memory_space<hbm>>) dst(%dma_wait3A_107 : memref<8x4096xf32, #tpu.memory_space<vmem>>)
      %add3A_110 = arith.constant 8 : i32
      %add3A_111 = arith.addi %add3A_44, %add3A_110 : i32
      %scan3A_112 = arith.constant 0 : i32
      %scan3A_113 = arith.constant 8 : i32
      %scan3A_114 = arith.addi %scan3A_112, %scan3A_113 : i32
      %scan3A_115 = arith.constant 1 : i32
      %scan3A_116 = scf.for %scan3A_118 = %scan3A_112 to %scan3A_114 step %scan3A_115 iter_args(%scan3A_119 = %scan3A_77) -> (vector<16xf32>)  : i32 {
        %add3A_120 = arith.addi %add3A_111, %scan3A_118 : i32
        %jit3A = arith.constant 16 : i32
        %eq3A = arith.constant 0 : i32
        %eq3A_121 = arith.cmpi eq, %jit3A, %eq3A : i32
        %jit3A_122 = arith.constant 1 : i32
        %select_n3A = arith.select %eq3A_121, %jit3A_122, %jit3A : i32
        %rem3A = arith.remsi %add3A_120, %select_n3A : i32
        %ne3A = arith.constant 0 : i32
        %ne3A_123 = arith.cmpi ne, %rem3A, %ne3A : i32
        %lt3A = arith.constant 0 : i32
        %lt3A_124 = arith.cmpi slt, %rem3A, %lt3A : i32
        %lt3A_125 = arith.constant 0 : i32
        %lt3A_126 = arith.cmpi slt, %select_n3A, %lt3A_125 : i32
        %ne3A_127 = arith.xori %lt3A_124, %lt3A_126 : i1
        %and3A = arith.andi %ne3A_127, %ne3A_123 : i1
        %add3A_128 = arith.addi %rem3A, %select_n3A : i32
        %select_n3A_129 = arith.select %and3A, %add3A_128, %rem3A : i32
        %sub3A = arith.subi %add3A_120, %select_n3A_129 : i32
        %multiple_of3A = tpu.assume_multiple %sub3A, 16 : i32
        %jit3A_130 = arith.constant 16 : i32
        %eq3A_131 = arith.constant 0 : i32
        %eq3A_132 = arith.cmpi eq, %jit3A_130, %eq3A_131 : i32
        %jit3A_133 = arith.constant 1 : i32
        %select_n3A_134 = arith.select %eq3A_132, %jit3A_133, %jit3A_130 : i32
        %rem3A_135 = arith.remsi %add3A_120, %select_n3A_134 : i32
        %ne3A_136 = arith.constant 0 : i32
        %ne3A_137 = arith.cmpi ne, %rem3A_135, %ne3A_136 : i32
        %lt3A_138 = arith.constant 0 : i32
        %lt3A_139 = arith.cmpi slt, %rem3A_135, %lt3A_138 : i32
        %lt3A_140 = arith.constant 0 : i32
        %lt3A_141 = arith.cmpi slt, %select_n3A_134, %lt3A_140 : i32
        %ne3A_142 = arith.xori %lt3A_139, %lt3A_141 : i1
        %and3A_143 = arith.andi %ne3A_142, %ne3A_137 : i1
        %add3A_144 = arith.addi %rem3A_135, %select_n3A_134 : i32
        %select_n3A_145 = arith.select %and3A_143, %add3A_144, %rem3A_135 : i32
        %broadcast_in_dim3A_146 = vector.broadcast %select_n3A_145 : i32 to vector<16xi32>
        %get3A = arith.index_cast %multiple_of3A : i32 to index
        %get3A_147 = tpu.vector_load %arg5[%get3A] {strides = array<i32>} : memref<4096xi32, #tpu.memory_space<vmem>>, vector<16xi32>,
        %get3A_148 = vector.shape_cast %get3A_147 : vector<16xi32> to vector<16xi32>
        %reshape3A = vector.shape_cast %broadcast_in_dim3A_146 : vector<16xi32> to vector<16x1xi32>
        %gather3A = vector.shape_cast %reshape3A : vector<16x1xi32> to vector<16xi32>
        %gather3A_149 = tpu.dynamic_gather %get3A_148[%gather3A] in [0] : vector<16xi32>, vector<16xi32> -> vector<16xi32>
        %scan3A_150 = arith.constant 0 : i32
        %scan3A_151 = arith.constant 32 : i32
        %scan3A_152 = arith.addi %scan3A_150, %scan3A_151 : i32
        %scan3A_153 = arith.constant 1 : i32
        %scan3A_154:16 = scf.for %scan3A_240 = %scan3A_150 to %scan3A_152 step %scan3A_153 iter_args(%scan3A_241 = %broadcast_in_dim3A_5, %scan3A_242 = %broadcast_in_dim3A_5, %scan3A_243 = %broadcast_in_dim3A_5, %scan3A_244 = %broadcast_in_dim3A_5, %scan3A_245 = %broadcast_in_dim3A_5, %scan3A_246 = %broadcast_in_dim3A_5, %scan3A_247 = %broadcast_in_dim3A_5, %scan3A_248 = %broadcast_in_dim3A_5, %scan3A_249 = %broadcast_in_dim3A_5, %scan3A_250 = %broadcast_in_dim3A_5, %scan3A_251 = %broadcast_in_dim3A_5, %scan3A_252 = %broadcast_in_dim3A_5, %scan3A_253 = %broadcast_in_dim3A_5, %scan3A_254 = %broadcast_in_dim3A_5, %scan3A_255 = %broadcast_in_dim3A_5, %scan3A_256 = %broadcast_in_dim3A_5) -> (vector<16xf32>, vector<16xf32>, vector<16xf32>, vector<16xf32>, vector<16xf32>, vector<16xf32>, vector<16xf32>, vector<16xf32>, vector<16xf32>, vector<16xf32>, vector<16xf32>, vector<16xf32>, vector<16xf32>, vector<16xf32>, vector<16xf32>, vector<16xf32>)  : i32 {
          %mul3A_257 = arith.constant 8 : i32
          %mul3A_258 = arith.muli %scan3A_240, %mul3A_257 : i32
          %add3A_259 = arith.constant 0 : i32
          %add3A_260 = arith.addi %mul3A_258, %add3A_259 : i32
          %mul3A_261 = arith.constant 16 : i32
          %mul3A_262 = arith.muli %add3A_260, %mul3A_261 : i32
          %get3A_263 = arith.constant 1 : i32
          %get3A_264 = arith.index_cast %get3A_263 : i32 to index
          %get3A_265 = arith.index_cast %scan3A_118 : i32 to index
          %get3A_266 = arith.index_cast %mul3A_262 : i32 to index
          %get3A_267 = tpu.vector_load %arg6[%get3A_264, %get3A_265, %get3A_266] {strides = array<i32>} : memref<2x8x4096xf32, #tpu.memory_space<vmem>>, vector<1x1x16xf32>,
          %get3A_268 = vector.shape_cast %get3A_267 : vector<1x1x16xf32> to vector<16xf32>
          %get3A_269 = arith.index_cast %mul3A_262 : i32 to index
          %get3A_270 = tpu.vector_load %arg5[%get3A_269] {strides = array<i32>} : memref<4096xi32, #tpu.memory_space<vmem>>, vector<16xi32>,
          %get3A_271 = vector.shape_cast %get3A_270 : vector<16xi32> to vector<16xi32>
          %neg3A_272 = arith.constant 0.000000e+00 : f32
          %neg3A_273 = vector.broadcast %neg3A_272 : f32 to vector<16xf32>
          %neg3A_274 = arith.subf %neg3A_273, %get3A_268 : vector<16xf32>
          %exp3A_275 = math.exp %neg3A_274 : vector<16xf32>
          %add3A_276 = arith.addf %scan3A_241, %exp3A_275 : vector<16xf32>
          %eq3A_277 = arith.cmpi eq, %get3A_271, %gather3A_149 : vector<16xi32>
          %select_n3A_278 = arith.select %eq3A_277, %exp3A_275, %broadcast_in_dim3A_5 : vector<16xi1>, vector<16xf32>
          %add3A_279 = arith.addf %scan3A_249, %select_n3A_278 : vector<16xf32>
          %mul3A_280 = arith.constant 8 : i32
          %mul3A_281 = arith.muli %scan3A_240, %mul3A_280 : i32
          %add3A_282 = arith.constant 1 : i32
          %add3A_283 = arith.addi %mul3A_281, %add3A_282 : i32
          %mul3A_284 = arith.constant 16 : i32
          %mul3A_285 = arith.muli %add3A_283, %mul3A_284 : i32
          %get3A_286 = arith.constant 1 : i32
          %get3A_287 = arith.index_cast %get3A_286 : i32 to index
          %get3A_288 = arith.index_cast %scan3A_118 : i32 to index
          %get3A_289 = arith.index_cast %mul3A_285 : i32 to index
          %get3A_290 = tpu.vector_load %arg6[%get3A_287, %get3A_288, %get3A_289] {strides = array<i32>} : memref<2x8x4096xf32, #tpu.memory_space<vmem>>, vector<1x1x16xf32>,
          %get3A_291 = vector.shape_cast %get3A_290 : vector<1x1x16xf32> to vector<16xf32>
          %get3A_292 = arith.index_cast %mul3A_285 : i32 to index
          %get3A_293 = tpu.vector_load %arg5[%get3A_292] {strides = array<i32>} : memref<4096xi32, #tpu.memory_space<vmem>>, vector<16xi32>,
          %get3A_294 = vector.shape_cast %get3A_293 : vector<16xi32> to vector<16xi32>
          %neg3A_295 = arith.constant 0.000000e+00 : f32
          %neg3A_296 = vector.broadcast %neg3A_295 : f32 to vector<16xf32>
          %neg3A_297 = arith.subf %neg3A_296, %get3A_291 : vector<16xf32>
          %exp3A_298 = math.exp %neg3A_297 : vector<16xf32>
          %add3A_299 = arith.addf %scan3A_242, %exp3A_298 : vector<16xf32>
          %eq3A_300 = arith.cmpi eq, %get3A_294, %gather3A_149 : vector<16xi32>
          %select_n3A_301 = arith.select %eq3A_300, %exp3A_298, %broadcast_in_dim3A_5 : vector<16xi1>, vector<16xf32>
          %add3A_302 = arith.addf %scan3A_250, %select_n3A_301 : vector<16xf32>
          %mul3A_303 = arith.constant 8 : i32
          %mul3A_304 = arith.muli %scan3A_240, %mul3A_303 : i32
          %add3A_305 = arith.constant 2 : i32
          %add3A_306 = arith.addi %mul3A_304, %add3A_305 : i32
          %mul3A_307 = arith.constant 16 : i32
          %mul3A_308 = arith.muli %add3A_306, %mul3A_307 : i32
          %get3A_309 = arith.constant 1 : i32
          %get3A_310 = arith.index_cast %get3A_309 : i32 to index
          %get3A_311 = arith.index_cast %scan3A_118 : i32 to index
          %get3A_312 = arith.index_cast %mul3A_308 : i32 to index
          %get3A_313 = tpu.vector_load %arg6[%get3A_310, %get3A_311, %get3A_312] {strides = array<i32>} : memref<2x8x4096xf32, #tpu.memory_space<vmem>>, vector<1x1x16xf32>,
          %get3A_314 = vector.shape_cast %get3A_313 : vector<1x1x16xf32> to vector<16xf32>
          %get3A_315 = arith.index_cast %mul3A_308 : i32 to index
          %get3A_316 = tpu.vector_load %arg5[%get3A_315] {strides = array<i32>} : memref<4096xi32, #tpu.memory_space<vmem>>, vector<16xi32>,
          %get3A_317 = vector.shape_cast %get3A_316 : vector<16xi32> to vector<16xi32>
          %neg3A_318 = arith.constant 0.000000e+00 : f32
          %neg3A_319 = vector.broadcast %neg3A_318 : f32 to vector<16xf32>
          %neg3A_320 = arith.subf %neg3A_319, %get3A_314 : vector<16xf32>
          %exp3A_321 = math.exp %neg3A_320 : vector<16xf32>
          %add3A_322 = arith.addf %scan3A_243, %exp3A_321 : vector<16xf32>
          %eq3A_323 = arith.cmpi eq, %get3A_317, %gather3A_149 : vector<16xi32>
          %select_n3A_324 = arith.select %eq3A_323, %exp3A_321, %broadcast_in_dim3A_5 : vector<16xi1>, vector<16xf32>
          %add3A_325 = arith.addf %scan3A_251, %select_n3A_324 : vector<16xf32>
          %mul3A_326 = arith.constant 8 : i32
          %mul3A_327 = arith.muli %scan3A_240, %mul3A_326 : i32
          %add3A_328 = arith.constant 3 : i32
          %add3A_329 = arith.addi %mul3A_327, %add3A_328 : i32
          %mul3A_330 = arith.constant 16 : i32
          %mul3A_331 = arith.muli %add3A_329, %mul3A_330 : i32
          %get3A_332 = arith.constant 1 : i32
          %get3A_333 = arith.index_cast %get3A_332 : i32 to index
          %get3A_334 = arith.index_cast %scan3A_118 : i32 to index
          %get3A_335 = arith.index_cast %mul3A_331 : i32 to index
          %get3A_336 = tpu.vector_load %arg6[%get3A_333, %get3A_334, %get3A_335] {strides = array<i32>} : memref<2x8x4096xf32, #tpu.memory_space<vmem>>, vector<1x1x16xf32>,
          %get3A_337 = vector.shape_cast %get3A_336 : vector<1x1x16xf32> to vector<16xf32>
          %get3A_338 = arith.index_cast %mul3A_331 : i32 to index
          %get3A_339 = tpu.vector_load %arg5[%get3A_338] {strides = array<i32>} : memref<4096xi32, #tpu.memory_space<vmem>>, vector<16xi32>,
          %get3A_340 = vector.shape_cast %get3A_339 : vector<16xi32> to vector<16xi32>
          %neg3A_341 = arith.constant 0.000000e+00 : f32
          %neg3A_342 = vector.broadcast %neg3A_341 : f32 to vector<16xf32>
          %neg3A_343 = arith.subf %neg3A_342, %get3A_337 : vector<16xf32>
          %exp3A_344 = math.exp %neg3A_343 : vector<16xf32>
          %add3A_345 = arith.addf %scan3A_244, %exp3A_344 : vector<16xf32>
          %eq3A_346 = arith.cmpi eq, %get3A_340, %gather3A_149 : vector<16xi32>
          %select_n3A_347 = arith.select %eq3A_346, %exp3A_344, %broadcast_in_dim3A_5 : vector<16xi1>, vector<16xf32>
          %add3A_348 = arith.addf %scan3A_252, %select_n3A_347 : vector<16xf32>
          %mul3A_349 = arith.constant 8 : i32
          %mul3A_350 = arith.muli %scan3A_240, %mul3A_349 : i32
          %add3A_351 = arith.constant 4 : i32
          %add3A_352 = arith.addi %mul3A_350, %add3A_351 : i32
          %mul3A_353 = arith.constant 16 : i32
          %mul3A_354 = arith.muli %add3A_352, %mul3A_353 : i32
          %get3A_355 = arith.constant 1 : i32
          %get3A_356 = arith.index_cast %get3A_355 : i32 to index
          %get3A_357 = arith.index_cast %scan3A_118 : i32 to index
          %get3A_358 = arith.index_cast %mul3A_354 : i32 to index
          %get3A_359 = tpu.vector_load %arg6[%get3A_356, %get3A_357, %get3A_358] {strides = array<i32>} : memref<2x8x4096xf32, #tpu.memory_space<vmem>>, vector<1x1x16xf32>,
          %get3A_360 = vector.shape_cast %get3A_359 : vector<1x1x16xf32> to vector<16xf32>
          %get3A_361 = arith.index_cast %mul3A_354 : i32 to index
          %get3A_362 = tpu.vector_load %arg5[%get3A_361] {strides = array<i32>} : memref<4096xi32, #tpu.memory_space<vmem>>, vector<16xi32>,
          %get3A_363 = vector.shape_cast %get3A_362 : vector<16xi32> to vector<16xi32>
          %neg3A_364 = arith.constant 0.000000e+00 : f32
          %neg3A_365 = vector.broadcast %neg3A_364 : f32 to vector<16xf32>
          %neg3A_366 = arith.subf %neg3A_365, %get3A_360 : vector<16xf32>
          %exp3A_367 = math.exp %neg3A_366 : vector<16xf32>
          %add3A_368 = arith.addf %scan3A_245, %exp3A_367 : vector<16xf32>
          %eq3A_369 = arith.cmpi eq, %get3A_363, %gather3A_149 : vector<16xi32>
          %select_n3A_370 = arith.select %eq3A_369, %exp3A_367, %broadcast_in_dim3A_5 : vector<16xi1>, vector<16xf32>
          %add3A_371 = arith.addf %scan3A_253, %select_n3A_370 : vector<16xf32>
          %mul3A_372 = arith.constant 8 : i32
          %mul3A_373 = arith.muli %scan3A_240, %mul3A_372 : i32
          %add3A_374 = arith.constant 5 : i32
          %add3A_375 = arith.addi %mul3A_373, %add3A_374 : i32
          %mul3A_376 = arith.constant 16 : i32
          %mul3A_377 = arith.muli %add3A_375, %mul3A_376 : i32
          %get3A_378 = arith.constant 1 : i32
          %get3A_379 = arith.index_cast %get3A_378 : i32 to index
          %get3A_380 = arith.index_cast %scan3A_118 : i32 to index
          %get3A_381 = arith.index_cast %mul3A_377 : i32 to index
          %get3A_382 = tpu.vector_load %arg6[%get3A_379, %get3A_380, %get3A_381] {strides = array<i32>} : memref<2x8x4096xf32, #tpu.memory_space<vmem>>, vector<1x1x16xf32>,
          %get3A_383 = vector.shape_cast %get3A_382 : vector<1x1x16xf32> to vector<16xf32>
          %get3A_384 = arith.index_cast %mul3A_377 : i32 to index
          %get3A_385 = tpu.vector_load %arg5[%get3A_384] {strides = array<i32>} : memref<4096xi32, #tpu.memory_space<vmem>>, vector<16xi32>,
          %get3A_386 = vector.shape_cast %get3A_385 : vector<16xi32> to vector<16xi32>
          %neg3A_387 = arith.constant 0.000000e+00 : f32
          %neg3A_388 = vector.broadcast %neg3A_387 : f32 to vector<16xf32>
          %neg3A_389 = arith.subf %neg3A_388, %get3A_383 : vector<16xf32>
          %exp3A_390 = math.exp %neg3A_389 : vector<16xf32>
          %add3A_391 = arith.addf %scan3A_246, %exp3A_390 : vector<16xf32>
          %eq3A_392 = arith.cmpi eq, %get3A_386, %gather3A_149 : vector<16xi32>
          %select_n3A_393 = arith.select %eq3A_392, %exp3A_390, %broadcast_in_dim3A_5 : vector<16xi1>, vector<16xf32>
          %add3A_394 = arith.addf %scan3A_254, %select_n3A_393 : vector<16xf32>
          %mul3A_395 = arith.constant 8 : i32
          %mul3A_396 = arith.muli %scan3A_240, %mul3A_395 : i32
          %add3A_397 = arith.constant 6 : i32
          %add3A_398 = arith.addi %mul3A_396, %add3A_397 : i32
          %mul3A_399 = arith.constant 16 : i32
          %mul3A_400 = arith.muli %add3A_398, %mul3A_399 : i32
          %get3A_401 = arith.constant 1 : i32
          %get3A_402 = arith.index_cast %get3A_401 : i32 to index
          %get3A_403 = arith.index_cast %scan3A_118 : i32 to index
          %get3A_404 = arith.index_cast %mul3A_400 : i32 to index
          %get3A_405 = tpu.vector_load %arg6[%get3A_402, %get3A_403, %get3A_404] {strides = array<i32>} : memref<2x8x4096xf32, #tpu.memory_space<vmem>>, vector<1x1x16xf32>,
          %get3A_406 = vector.shape_cast %get3A_405 : vector<1x1x16xf32> to vector<16xf32>
          %get3A_407 = arith.index_cast %mul3A_400 : i32 to index
          %get3A_408 = tpu.vector_load %arg5[%get3A_407] {strides = array<i32>} : memref<4096xi32, #tpu.memory_space<vmem>>, vector<16xi32>,
          %get3A_409 = vector.shape_cast %get3A_408 : vector<16xi32> to vector<16xi32>
          %neg3A_410 = arith.constant 0.000000e+00 : f32
          %neg3A_411 = vector.broadcast %neg3A_410 : f32 to vector<16xf32>
          %neg3A_412 = arith.subf %neg3A_411, %get3A_406 : vector<16xf32>
          %exp3A_413 = math.exp %neg3A_412 : vector<16xf32>
          %add3A_414 = arith.addf %scan3A_247, %exp3A_413 : vector<16xf32>
          %eq3A_415 = arith.cmpi eq, %get3A_409, %gather3A_149 : vector<16xi32>
          %select_n3A_416 = arith.select %eq3A_415, %exp3A_413, %broadcast_in_dim3A_5 : vector<16xi1>, vector<16xf32>
          %add3A_417 = arith.addf %scan3A_255, %select_n3A_416 : vector<16xf32>
          %mul3A_418 = arith.constant 8 : i32
          %mul3A_419 = arith.muli %scan3A_240, %mul3A_418 : i32
          %add3A_420 = arith.constant 7 : i32
          %add3A_421 = arith.addi %mul3A_419, %add3A_420 : i32
          %mul3A_422 = arith.constant 16 : i32
          %mul3A_423 = arith.muli %add3A_421, %mul3A_422 : i32
          %get3A_424 = arith.constant 1 : i32
          %get3A_425 = arith.index_cast %get3A_424 : i32 to index
          %get3A_426 = arith.index_cast %scan3A_118 : i32 to index
          %get3A_427 = arith.index_cast %mul3A_423 : i32 to index
          %get3A_428 = tpu.vector_load %arg6[%get3A_425, %get3A_426, %get3A_427] {strides = array<i32>} : memref<2x8x4096xf32, #tpu.memory_space<vmem>>, vector<1x1x16xf32>,
          %get3A_429 = vector.shape_cast %get3A_428 : vector<1x1x16xf32> to vector<16xf32>
          %get3A_430 = arith.index_cast %mul3A_423 : i32 to index
          %get3A_431 = tpu.vector_load %arg5[%get3A_430] {strides = array<i32>} : memref<4096xi32, #tpu.memory_space<vmem>>, vector<16xi32>,
          %get3A_432 = vector.shape_cast %get3A_431 : vector<16xi32> to vector<16xi32>
          %neg3A_433 = arith.constant 0.000000e+00 : f32
          %neg3A_434 = vector.broadcast %neg3A_433 : f32 to vector<16xf32>
          %neg3A_435 = arith.subf %neg3A_434, %get3A_429 : vector<16xf32>
          %exp3A_436 = math.exp %neg3A_435 : vector<16xf32>
          %add3A_437 = arith.addf %scan3A_248, %exp3A_436 : vector<16xf32>
          %eq3A_438 = arith.cmpi eq, %get3A_432, %gather3A_149 : vector<16xi32>
          %select_n3A_439 = arith.select %eq3A_438, %exp3A_436, %broadcast_in_dim3A_5 : vector<16xi1>, vector<16xf32>
          %add3A_440 = arith.addf %scan3A_256, %select_n3A_439 : vector<16xf32>
          scf.yield %add3A_276, %add3A_299, %add3A_322, %add3A_345, %add3A_368, %add3A_391, %add3A_414, %add3A_437, %add3A_279, %add3A_302, %add3A_325, %add3A_348, %add3A_371, %add3A_394, %add3A_417, %add3A_440 : vector<16xf32>, vector<16xf32>, vector<16xf32>, vector<16xf32>, vector<16xf32>, vector<16xf32>, vector<16xf32>, vector<16xf32>, vector<16xf32>, vector<16xf32>, vector<16xf32>, vector<16xf32>, vector<16xf32>, vector<16xf32>, vector<16xf32>, vector<16xf32>
        }
        %scan3A_155 = arith.constant 32 : i32
        %add3A_156 = arith.addf %scan3A_154#0, %scan3A_154#4 : vector<16xf32>
        %add3A_157 = arith.addf %scan3A_154#8, %scan3A_154#12 : vector<16xf32>
        %add3A_158 = arith.addf %scan3A_154#1, %scan3A_154#5 : vector<16xf32>
        %add3A_159 = arith.addf %scan3A_154#9, %scan3A_154#13 : vector<16xf32>
        %add3A_160 = arith.addf %scan3A_154#2, %scan3A_154#6 : vector<16xf32>
        %add3A_161 = arith.addf %scan3A_154#10, %scan3A_154#14 : vector<16xf32>
        %add3A_162 = arith.addf %scan3A_154#3, %scan3A_154#7 : vector<16xf32>
        %add3A_163 = arith.addf %scan3A_154#11, %scan3A_154#15 : vector<16xf32>
        %add3A_164 = arith.addf %add3A_156, %add3A_160 : vector<16xf32>
        %add3A_165 = arith.addf %add3A_157, %add3A_161 : vector<16xf32>
        %add3A_166 = arith.addf %add3A_158, %add3A_162 : vector<16xf32>
        %add3A_167 = arith.addf %add3A_159, %add3A_163 : vector<16xf32>
        %add3A_168 = arith.addf %add3A_164, %add3A_166 : vector<16xf32>
        %add3A_169 = arith.addf %add3A_165, %add3A_167 : vector<16xf32>
        %get3A_170 = arith.constant 1 : i32
        %get3A_171 = arith.index_cast %get3A_170 : i32 to index
        %get3A_172 = arith.index_cast %scan3A_118 : i32 to index
        %get3A_173 = arith.index_cast %multiple_of3A : i32 to index
        %get3A_174 = tpu.vector_load %arg6[%get3A_171, %get3A_172, %get3A_173] {strides = array<i32>} : memref<2x8x4096xf32, #tpu.memory_space<vmem>>, vector<1x1x16xf32>,
        %get3A_175 = vector.shape_cast %get3A_174 : vector<1x1x16xf32> to vector<16xf32>
        %reshape3A_176 = vector.shape_cast %broadcast_in_dim3A_146 : vector<16xi32> to vector<16x1xi32>
        %gather3A_177 = vector.shape_cast %reshape3A_176 : vector<16x1xi32> to vector<16xi32>
        %gather3A_178 = tpu.dynamic_gather %get3A_175[%gather3A_177] in [0] : vector<16xf32>, vector<16xi32> -> vector<16xf32>
        %neg3A = arith.constant 0.000000e+00 : f32
        %neg3A_179 = vector.broadcast %neg3A : f32 to vector<16xf32>
        %neg3A_180 = arith.subf %neg3A_179, %gather3A_178 : vector<16xf32>
        %exp3A = math.exp %neg3A_180 : vector<16xf32>
        %iota3A = tpu.iota {dimensions = array<i32: 0>} : vector<16xi32>
        %xor3A = arith.constant 8 : i32
        %xor3A_181 = vector.broadcast %xor3A : i32 to vector<16xi32>
        %xor3A_182 = arith.xori %iota3A, %xor3A_181 : vector<16xi32>
        %reshape3A_183 = vector.shape_cast %xor3A_182 : vector<16xi32> to vector<16x1xi32>
        %gather3A_184 = vector.shape_cast %reshape3A_183 : vector<16x1xi32> to vector<16xi32>
        %gather3A_185 = tpu.dynamic_gather %add3A_168[%gather3A_184] in [0] : vector<16xf32>, vector<16xi32> -> vector<16xf32>
        %add3A_186 = arith.addf %add3A_168, %gather3A_185 : vector<16xf32>
        %xor3A_187 = arith.constant 4 : i32
        %xor3A_188 = vector.broadcast %xor3A_187 : i32 to vector<16xi32>
        %xor3A_189 = arith.xori %iota3A, %xor3A_188 : vector<16xi32>
        %reshape3A_190 = vector.shape_cast %xor3A_189 : vector<16xi32> to vector<16x1xi32>
        %gather3A_191 = vector.shape_cast %reshape3A_190 : vector<16x1xi32> to vector<16xi32>
        %gather3A_192 = tpu.dynamic_gather %add3A_186[%gather3A_191] in [0] : vector<16xf32>, vector<16xi32> -> vector<16xf32>
        %add3A_193 = arith.addf %add3A_186, %gather3A_192 : vector<16xf32>
        %xor3A_194 = arith.constant 2 : i32
        %xor3A_195 = vector.broadcast %xor3A_194 : i32 to vector<16xi32>
        %xor3A_196 = arith.xori %iota3A, %xor3A_195 : vector<16xi32>
        %reshape3A_197 = vector.shape_cast %xor3A_196 : vector<16xi32> to vector<16x1xi32>
        %gather3A_198 = vector.shape_cast %reshape3A_197 : vector<16x1xi32> to vector<16xi32>
        %gather3A_199 = tpu.dynamic_gather %add3A_193[%gather3A_198] in [0] : vector<16xf32>, vector<16xi32> -> vector<16xf32>
        %add3A_200 = arith.addf %add3A_193, %gather3A_199 : vector<16xf32>
        %xor3A_201 = arith.constant 1 : i32
        %xor3A_202 = vector.broadcast %xor3A_201 : i32 to vector<16xi32>
        %xor3A_203 = arith.xori %iota3A, %xor3A_202 : vector<16xi32>
        %reshape3A_204 = vector.shape_cast %xor3A_203 : vector<16xi32> to vector<16x1xi32>
        %gather3A_205 = vector.shape_cast %reshape3A_204 : vector<16x1xi32> to vector<16xi32>
        %gather3A_206 = tpu.dynamic_gather %add3A_200[%gather3A_205] in [0] : vector<16xf32>, vector<16xi32> -> vector<16xf32>
        %add3A_207 = arith.addf %add3A_200, %gather3A_206 : vector<16xf32>
        %sub3A_208 = arith.subf %add3A_207, %exp3A : vector<16xf32>
        %iota3A_209 = tpu.iota {dimensions = array<i32: 0>} : vector<16xi32>
        %xor3A_210 = arith.constant 8 : i32
        %xor3A_211 = vector.broadcast %xor3A_210 : i32 to vector<16xi32>
        %xor3A_212 = arith.xori %iota3A_209, %xor3A_211 : vector<16xi32>
        %reshape3A_213 = vector.shape_cast %xor3A_212 : vector<16xi32> to vector<16x1xi32>
        %gather3A_214 = vector.shape_cast %reshape3A_213 : vector<16x1xi32> to vector<16xi32>
        %gather3A_215 = tpu.dynamic_gather %add3A_169[%gather3A_214] in [0] : vector<16xf32>, vector<16xi32> -> vector<16xf32>
        %add3A_216 = arith.addf %add3A_169, %gather3A_215 : vector<16xf32>
        %xor3A_217 = arith.constant 4 : i32
        %xor3A_218 = vector.broadcast %xor3A_217 : i32 to vector<16xi32>
        %xor3A_219 = arith.xori %iota3A_209, %xor3A_218 : vector<16xi32>
        %reshape3A_220 = vector.shape_cast %xor3A_219 : vector<16xi32> to vector<16x1xi32>
        %gather3A_221 = vector.shape_cast %reshape3A_220 : vector<16x1xi32> to vector<16xi32>
        %gather3A_222 = tpu.dynamic_gather %add3A_216[%gather3A_221] in [0] : vector<16xf32>, vector<16xi32> -> vector<16xf32>
        %add3A_223 = arith.addf %add3A_216, %gather3A_222 : vector<16xf32>
        %xor3A_224 = arith.constant 2 : i32
        %xor3A_225 = vector.broadcast %xor3A_224 : i32 to vector<16xi32>
        %xor3A_226 = arith.xori %iota3A_209, %xor3A_225 : vector<16xi32>
        %reshape3A_227 = vector.shape_cast %xor3A_226 : vector<16xi32> to vector<16x1xi32>
        %gather3A_228 = vector.shape_cast %reshape3A_227 : vector<16x1xi32> to vector<16xi32>
        %gather3A_229 = tpu.dynamic_gather %add3A_223[%gather3A_228] in [0] : vector<16xf32>, vector<16xi32> -> vector<16xf32>
        %add3A_230 = arith.addf %add3A_223, %gather3A_229 : vector<16xf32>
        %xor3A_231 = arith.constant 1 : i32
        %xor3A_232 = vector.broadcast %xor3A_231 : i32 to vector<16xi32>
        %xor3A_233 = arith.xori %iota3A_209, %xor3A_232 : vector<16xi32>
        %reshape3A_234 = vector.shape_cast %xor3A_233 : vector<16xi32> to vector<16x1xi32>
        %gather3A_235 = vector.shape_cast %reshape3A_234 : vector<16x1xi32> to vector<16xi32>
        %gather3A_236 = tpu.dynamic_gather %add3A_230[%gather3A_235] in [0] : vector<16xf32>, vector<16xi32> -> vector<16xf32>
        %add3A_237 = arith.addf %add3A_230, %gather3A_236 : vector<16xf32>
        %sub3A_238 = arith.subf %add3A_237, %exp3A : vector<16xf32>
        %div3A = arith.divf %sub3A_238, %sub3A_208 : vector<16xf32>
        %add3A_239 = arith.addf %scan3A_119, %div3A : vector<16xf32>
        scf.yield %add3A_239 : vector<16xf32>
      }
      %scan3A_117 = arith.constant 8 : i32
      scf.yield %scan3A_116 : vector<16xf32>
    }
    %scan3A_22 = arith.constant 2 : i32
    %dma_wait3A = arith.constant 0 : i32
    %dma_wait3A_23 = arith.constant 0 : i32
    %dma_wait3A_24 = arith.constant 0 : i32
    %dma_wait3A_25 = tpu.memref_slice %arg6[%dma_wait3A, %dma_wait3A_23, %dma_wait3A_24] : memref<2x8x4096xf32, #tpu.memory_space<vmem>> -> memref<1x8x4096xf32, #tpu.memory_space<vmem>>
    %dma_wait3A_26 = tpu.memref_squeeze %dma_wait3A_25 : memref<1x8x4096xf32, #tpu.memory_space<vmem>> -> memref<8x4096xf32, #tpu.memory_space<vmem>>
    %dma_wait3A_27 = arith.constant 0 : i32
    %dma_wait3A_28 = tpu.memref_slice %arg2[%add3A_4, %dma_wait3A_27] : memref<4096x4096xf32, #tpu.memory_space<hbm>> -> memref<8x4096xf32, #tpu.memory_space<hbm>>
    %dma_wait3A_29 = arith.constant 0 : i32
    %dma_wait3A_30 = arith.constant 0 : i32
    %dma_wait3A_31 = tpu.memref_slice %arg6[%dma_wait3A, %dma_wait3A_29, %dma_wait3A_30] : memref<2x8x4096xf32, #tpu.memory_space<vmem>> -> memref<1x8x4096xf32, #tpu.memory_space<vmem>>
    %dma_wait3A_32 = tpu.memref_squeeze %dma_wait3A_31 : memref<1x8x4096xf32, #tpu.memory_space<vmem>> -> memref<8x4096xf32, #tpu.memory_space<vmem>>
    %dma_wait3A_33 = arith.constant 0 : i32
    %dma_wait3A_34 = tpu.memref_slice %arg2[%add3A_4, %dma_wait3A_33] : memref<4096x4096xf32, #tpu.memory_space<hbm>> -> memref<8x4096xf32, #tpu.memory_space<hbm>>
    tpu.wait_dma2 semaphore(%arg8 : memref<!tpu.dma_semaphore, #tpu.memory_space<semaphore_mem>>) src(%dma_wait3A_34 : memref<8x4096xf32, #tpu.memory_space<hbm>>) dst(%dma_wait3A_32 : memref<8x4096xf32, #tpu.memory_space<vmem>>)
    %swap3A = arith.constant 0 : index
    %swap3A_35 = tpu.vector_load %arg7[%swap3A] {strides = array<i32>} : memref<16xf32, #tpu.memory_space<vmem>>, vector<16xf32>,
    %swap3A_36 = vector.shape_cast %swap3A_35 : vector<16xf32> to vector<16xf32>
    %swap3A_37 = vector.shape_cast %scan3A_21 : vector<16xf32> to vector<16xf32>
    tpu.vector_store %arg7[%swap3A], %swap3A_37 {strides = array<i32>} : memref<16xf32, #tpu.memory_space<vmem>>, vector<16xf32>,
    "tpu.region"() ({
      %run_scoped3A = tpu.sem_alloc : memref<!tpu.dma_semaphore, #tpu.memory_space<semaphore_mem>>
      %dma_start3A_38 = arith.constant 0 : i32
      %dma_start3A_39 = tpu.memref_slice %arg4[%add3A, %dma_start3A_38] : memref<32x16xf32, #tpu.memory_space<hbm>> -> memref<1x16xf32, #tpu.memory_space<hbm>>
      %dma_start3A_40 = tpu.memref_squeeze %dma_start3A_39 : memref<1x16xf32, #tpu.memory_space<hbm>> -> memref<16xf32, #tpu.memory_space<hbm>>
      %dma_start3A_41 = arith.constant 0 : i32
      %dma_start3A_42 = tpu.memref_slice %arg4[%add3A, %dma_start3A_41] : memref<32x16xf32, #tpu.memory_space<hbm>> -> memref<1x16xf32, #tpu.memory_space<hbm>>
      %dma_start3A_43 = tpu.memref_squeeze %dma_start3A_42 : memref<1x16xf32, #tpu.memory_space<hbm>> -> memref<16xf32, #tpu.memory_space<hbm>>
      tpu.enqueue_dma source(%arg7 : memref<16xf32, #tpu.memory_space<vmem>>) target(%dma_start3A_43 : memref<16xf32, #tpu.memory_space<hbm>>) target_semaphore(%run_scoped3A : memref<!tpu.dma_semaphore, #tpu.memory_space<semaphore_mem>>)
      %dma_wait3A_44 = arith.constant 0 : i32
      %dma_wait3A_45 = tpu.memref_slice %arg4[%add3A, %dma_wait3A_44] : memref<32x16xf32, #tpu.memory_space<hbm>> -> memref<1x16xf32, #tpu.memory_space<hbm>>
      %dma_wait3A_46 = tpu.memref_squeeze %dma_wait3A_45 : memref<1x16xf32, #tpu.memory_space<hbm>> -> memref<16xf32, #tpu.memory_space<hbm>>
      %dma_wait3A_47 = arith.constant 0 : i32
      %dma_wait3A_48 = tpu.memref_slice %arg4[%add3A, %dma_wait3A_47] : memref<32x16xf32, #tpu.memory_space<hbm>> -> memref<1x16xf32, #tpu.memory_space<hbm>>
      %dma_wait3A_49 = tpu.memref_squeeze %dma_wait3A_48 : memref<1x16xf32, #tpu.memory_space<hbm>> -> memref<16xf32, #tpu.memory_space<hbm>>
      tpu.wait_dma2 semaphore(%run_scoped3A : memref<!tpu.dma_semaphore, #tpu.memory_space<semaphore_mem>>) src(%arg7 : memref<16xf32, #tpu.memory_space<vmem>>) dst(%dma_wait3A_49 : memref<16xf32, #tpu.memory_space<hbm>>)
      tpu.yield
    }) : () -> ()
    return
  }
}

module attributes {stable_mosaic.version = 14 : i64} {
  func.func @_nca_tc_kernel(%arg0: i32, %arg1: memref<256x4096xf32, #tpu.memory_space<vmem>>, %arg2: memref<256x1xi32, #tpu.memory_space<vmem>>, %arg3: memref<1x4096xi32, #tpu.memory_space<vmem>>, %arg4: memref<1x1x1xf32, #tpu.memory_space<vmem>>) attributes {dimension_semantics = [#tpu.dimension_semantics<arbitrary>], iteration_bounds = array<i64: 12>, scalar_prefetch = 0 : i64, scratch_operands = 0 : i64, tpu.core_type = #tpu.core_type<tc>, window_params = [{transform_indices = @transform_0, window_bounds = array<i64: 256, 4096>}, {transform_indices = @transform_1, window_bounds = array<i64: 256, 1>}, {pipeline_mode = #tpu.pipeline_mode<synchronous>, transform_indices = @transform_2, window_bounds = array<i64: 1, 4096>}, {pipeline_mode = #tpu.pipeline_mode<synchronous>, transform_indices = @transform_3, window_bounds = array<i64: 1, 1, 1>}]} {
    %get3A = arith.constant 0 : index
    %get3A_0 = arith.constant 0 : index
    %get3A_1 = vector.load %arg1[%get3A, %get3A_0] : memref<256x4096xf32, #tpu.memory_space<vmem>>, vector<256x4096xf32>
    %get3A_2 = arith.constant 0 : index
    %get3A_3 = arith.constant 0 : index
    %get3A_4 = vector.load %arg2[%get3A_2, %get3A_3] : memref<256x1xi32, #tpu.memory_space<vmem>>, vector<256x1xi32>
    %get3A_5 = arith.constant 0 : index
    %get3A_6 = arith.constant 0 : index
    %get3A_7 = vector.load %arg3[%get3A_5, %get3A_6] : memref<1x4096xi32, #tpu.memory_space<vmem>>, vector<1x4096xi32>
    %neg3A = arith.constant 0.000000e+00 : f32
    %neg3A_8 = vector.broadcast %neg3A : f32 to vector<256x4096xf32>
    %neg3A_9 = arith.subf %neg3A_8, %get3A_1 : vector<256x4096xf32>
    %exp3A = math.exp %neg3A_9 : vector<256x4096xf32>
    %reduce_sum3A = arith.constant dense<0.000000e+00> : vector<256xf32>
    %reduce_sum3A_10 = vector.multi_reduction <add>, %exp3A, %reduce_sum3A [1] : vector<256x4096xf32> to vector<256xf32>
    %eq3A = vector.broadcast %get3A_4 : vector<256x1xi32> to vector<256x4096xi32>
    %eq3A_11 = vector.broadcast %get3A_7 : vector<1x4096xi32> to vector<256x4096xi32>
    %eq3A_12 = arith.cmpi eq, %eq3A, %eq3A_11 : vector<256x4096xi32>
    %jit3A = arith.constant 0.000000e+00 : f32
    %broadcast_in_dim3A = vector.broadcast %jit3A : f32 to vector<256x4096xf32>
    %select_n3A = arith.select %eq3A_12, %exp3A, %broadcast_in_dim3A : vector<256x4096xi1>, vector<256x4096xf32>
    %reduce_sum3A_13 = arith.constant dense<0.000000e+00> : vector<256xf32>
    %reduce_sum3A_14 = vector.multi_reduction <add>, %select_n3A, %reduce_sum3A_13 [1] : vector<256x4096xf32> to vector<256xf32>
    %mul3A = arith.constant 256 : i32
    %mul3A_15 = arith.muli %arg0, %mul3A : i32
    %get3A_16 = arith.constant 0 : index
    %get3A_17 = arith.index_cast %mul3A_15 : i32 to index
    %get3A_18 = vector.load %arg1[%get3A_16, %get3A_17] : memref<256x4096xf32, #tpu.memory_space<vmem>>, vector<256x256xf32>
    %iota3A = tpu.iota {dimensions = array<i32: 0>} : vector<256x256xi32>
    %iota3A_19 = tpu.iota {dimensions = array<i32: 1>} : vector<256x256xi32>
    %eq3A_20 = arith.cmpi eq, %iota3A, %iota3A_19 : vector<256x256xi32>
    %neg3A_21 = arith.constant 0.000000e+00 : f32
    %neg3A_22 = vector.broadcast %neg3A_21 : f32 to vector<256x256xf32>
    %neg3A_23 = arith.subf %neg3A_22, %get3A_18 : vector<256x256xf32>
    %exp3A_24 = math.exp %neg3A_23 : vector<256x256xf32>
    %jit3A_25 = arith.constant 0.000000e+00 : f32
    %broadcast_in_dim3A_26 = vector.broadcast %jit3A_25 : f32 to vector<256x256xf32>
    %select_n3A_27 = arith.select %eq3A_20, %exp3A_24, %broadcast_in_dim3A_26 : vector<256x256xi1>, vector<256x256xf32>
    %reduce_sum3A_28 = arith.constant dense<0.000000e+00> : vector<256xf32>
    %reduce_sum3A_29 = vector.multi_reduction <add>, %select_n3A_27, %reduce_sum3A_28 [1] : vector<256x256xf32> to vector<256xf32>
    %sub3A = arith.subf %reduce_sum3A_14, %reduce_sum3A_29 : vector<256xf32>
    %sub3A_30 = arith.subf %reduce_sum3A_10, %reduce_sum3A_29 : vector<256xf32>
    %div3A = arith.divf %sub3A, %sub3A_30 : vector<256xf32>
    %reduce_sum3A_31 = vector.shape_cast %div3A : vector<256xf32> to vector<1x256xf32>
    %reduce_sum3A_32 = arith.constant dense<0.000000e+00> : vector<1xf32>
    %reduce_sum3A_33 = vector.multi_reduction <add>, %reduce_sum3A_31, %reduce_sum3A_32 [1] : vector<1x256xf32> to vector<1xf32>
    %reduce_sum3A_34 = vector.shape_cast %reduce_sum3A_33 : vector<1xf32> to vector<1x1xf32>
    %reduce_sum3A_35 = vector.extract %reduce_sum3A_34[0, 0] : f32 from vector<1x1xf32>
    %eq3A_36 = arith.constant 0 : i32
    %eq3A_37 = arith.cmpi eq, %arg0, %eq3A_36 : i32
    %convert_element_type3A = arith.extui %eq3A_37 : i1 to i32
    %cond3A = arith.constant 0 : i32
    %cond3A_38 = arith.cmpi ne, %convert_element_type3A, %cond3A : i32
    scf.if %cond3A_38 {
      %broadcast_in_dim3A_46 = arith.constant 0.000000e+00 : f32
      %broadcast_in_dim3A_47 = vector.broadcast %broadcast_in_dim3A_46 : f32 to vector<1x1x1xf32>
      %swap3A_48 = arith.constant 0 : index
      %swap3A_49 = arith.constant 0 : index
      %swap3A_50 = arith.constant 0 : index
      %swap3A_51 = vector.load %arg4[%swap3A_48, %swap3A_49, %swap3A_50] : memref<1x1x1xf32, #tpu.memory_space<vmem>>, vector<1x1x1xf32>
      tpu.vector_store %arg4[%swap3A_48, %swap3A_49, %swap3A_50], %broadcast_in_dim3A_47 {strides = array<i32>} : memref<1x1x1xf32, #tpu.memory_space<vmem>>, vector<1x1x1xf32>,
    } else {
    }
    %get3A_39 = arith.constant 0 : index
    %get3A_40 = arith.constant 0 : index
    %get3A_41 = arith.constant 0 : index
    %get3A_42 = vector.load %arg4[%get3A_39, %get3A_40, %get3A_41] : memref<1x1x1xf32, #tpu.memory_space<vmem>>, vector<1x1x1xf32>
    %reshape3A = vector.broadcast %reduce_sum3A_35 : f32 to vector<1x1x1xf32>
    %add3A = arith.addf %get3A_42, %reshape3A : vector<1x1x1xf32>
    %swap3A = arith.constant 0 : index
    %swap3A_43 = arith.constant 0 : index
    %swap3A_44 = arith.constant 0 : index
    %swap3A_45 = vector.load %arg4[%swap3A, %swap3A_43, %swap3A_44] : memref<1x1x1xf32, #tpu.memory_space<vmem>>, vector<1x1x1xf32>
    tpu.vector_store %arg4[%swap3A, %swap3A_43, %swap3A_44], %add3A {strides = array<i32>} : memref<1x1x1xf32, #tpu.memory_space<vmem>>, vector<1x1x1xf32>,
    return
  }
  func.func @transform_0(%arg0: i32) -> (i32, i32) {
    %c0_i32 = arith.constant 0 : i32
    %c0_i32_0 = arith.constant 0 : i32
    return %arg0, %c0_i32 : i32, i32
  }
  func.func @transform_1(%arg0: i32) -> (i32, i32) {
    %c0_i32 = arith.constant 0 : i32
    %c0_i32_0 = arith.constant 0 : i32
    return %arg0, %c0_i32 : i32, i32
  }
  func.func @transform_2(%arg0: i32) -> (i32, i32) {
    %c0_i32 = arith.constant 0 : i32
    %c0_i32_0 = arith.constant 0 : i32
    %c0_i32_1 = arith.constant 0 : i32
    return %c0_i32, %c0_i32_0 : i32, i32
  }
  func.func @transform_3(%arg0: i32) -> (i32, i32, i32) {
    %c0_i32 = arith.constant 0 : i32
    %c0_i32_0 = arith.constant 0 : i32
    %c0_i32_1 = arith.constant 0 : i32
    %c0_i32_2 = arith.constant 0 : i32
    return %c0_i32, %c0_i32_0, %c0_i32_1 : i32, i32, i32
  }
}

</mosaic_0001>

<sc_bundles>
// kernel: kernel.4.cloned.1.call-start
scs
__scs_entry_jumppad:
0x0: {  	(pc) =	sbr.rel $0x88, $3  }
0x1: {  	(tag) =	ssettag $0x0;
	lr =	simm.s32 $0x1  }
0x2: {  	[smem:$0x3F9F] =	sst lr;
	_ =	strace $0xD0000000  }
0x3: {  	_ = 	snop  }
0x4: {  	_ = 	snop  }
0x5: {  	_ = 	snop  }
0x6: {  	_ = 	snop  }
0x7: {  	_ = 	snop  }
__scs_overlays_trampoline_lowered:
0x8: {  	[smem:$0x3FAE] =	sst s0  }
0x9: {  	[smem:$0x3FAF] =	sst s1  }
0xa: {  	[smem:$0x3FB0] =	sst s2  }
0xb: {  	[smem:$0x3FB1] =	sst s3  }
0xc: {  	[smem:$0x3FB2] =	sst s4  }
0xd: {  	[smem:$0x3FB3] =	sst s5  }
0xe: {  	[smem:$0x3FB4] =	sst s6  }
0xf: {  	[smem:$0x3FB5] =	sst s7  }
0x10: {  	[smem:$0x3FB6] =	sst s8  }
0x11: {  	[smem:$0x3FB7] =	sst s9;
	s0 =	simm.s32 @!p0 $0x0  }
0x12: {  	s1 =	sld [smem:$0x3F9D];
	s0 =	simm.s32 @p0 $0x1  }
0x13: {  	[smem:$0x3FB8] =	sst s0;
	s0 =	simm.s32 @!p1 $0x0  }
0x14: {  	s2 =	sld [smem:$0x3F9C];
	s0 =	simm.s32 @p1 $0x1  }
0x15: {  	[smem:$0x3FB9] =	sst s0;
	s0 =	simm.s32 @!p2 $0x0  }
0x16: {  	s3 =	sld [smem:$0x3FDB];
	s0 =	simm.s32 @p2 $0x1  }
0x17: {  	s4 =	simm.s32 $0x1BF5;
	[smem:$0x3FBB] =	sst s0  }
0x18: {  	s0 =	sld [smem:$0x3F9E];
	_ =	swait.ge [sflag:s4], $0x0  }
0x19: {  	s7 =	sld [smem:$0x3F9F]  }
0x1a: {  	s8 =	sadd.s32 $0xFFFFE003, lr  }
0x1b: {  	s9 =	sadd.s32 $0xFFFFFEF7, lr;
	s5 =	simm.s32 $0xFFFFFFFF;
	p2 =	slt.u32 s8, $0xFFFFF086  }
0x1c: {  	p1 =	slt.u32 s9, $0xF7A;
	s5 =	simm.s32 @!p2 $0x0  }
0x1d: {  	s5 =	simm.s32 @p1 $0x1;
	p0 =	seq.s32 s7, s2  }
0x1e: {  	s7 =	smul.u32 @!p0 $0xF7A, s2;
	p2 =	seq.s32 @!p0 s5, $0x0  }
0x1f: {  	s9 =	smul.u32 $0xF7A, s1;
	s8 =	simm.s32 @!p0 $0x1BF5;
	p2 =	por !p2, p0  }
0x20: {  	[sflag:s8] =	ssyncset.s32 @!p0 $0xFFFFF086;
	s6 =	sadd.s32 @!p0 s3, s7;
	s7 =	simm.s32 @!p0 $0x108  }
0x21: {  	s3 =	sadd.s32 s3, s9;
	s6 =	sadd.s32 @!p0 $0x88, s6;
	s7 =	simm.s32 @p2 $0x1082  }
0x22: {  	[simem:s7], [sflag:s8] =	dma.local @!p0 [hbm:s6], $0xF7A  }
0x23: {  	s9 =	sor.u32 $0xD0000000, s2;
	s6 =	simm.s32 $0x108;
	_ =	swait.ge @!p0 [sflag:s8], $0x0  }
0x24: {  	s3 =	sadd.s32 $0x88, s3;
	s6 =	simm.s32 @!p1 $0x1082;
	[sflag:s4] =	ssyncset.s32 $0xFFFFF086  }
0x25: {  	[simem:s6], [sflag:s4] =	dma.local [hbm:s3], $0xF7A  }
0x26: {  	[smem:$0x3F9F] =	sst s1;
	(tag) =	ssettag s2;
	_ =	strace s9  }
0x27: {  	s1 =	sld [smem:$0x3FAF]  }
0x28: {  	s2 =	sld [smem:$0x3FB0]  }
0x29: {  	s4 =	sld [smem:$0x3FB2]  }
0x2a: {  	p0 =	seq.s32 s5, $0x0;
	s5 =	sld [smem:$0x3FB3]  }
0x2b: {  	s6 =	sld [smem:$0x3FB4]  }
0x2c: {  	s7 =	sld [smem:$0x3FB5]  }
0x2d: {  	s3 =	simm.s32 $0x108;
	s8 =	sld [smem:$0x3FB6]  }
0x2e: {  	s3 =	simm.s32 @!p0 $0x1082;
	s9 =	sld [smem:$0x3FB7]  }
0x2f: {  	lr =	sadd.s32 s0, s3;
	s0 =	sld [smem:$0x3FAE]  }
0x30: {  	s3 =	sld [smem:$0x3FB1]  }
0x31: {  	[smem:$0x3FBA] =	sst s10  }
0x32: {  	s10 =	sld [smem:$0x3FB8];
	_ =	sdelay $0x3  }
0x33: {  	p0 =	seq.s32 s10, $0x1;
	s10 =	sld [smem:$0x3FBA];
	_ =	sdelay $0x3  }
0x34: {  	[smem:$0x3FBA] =	sst s10  }
0x35: {  	s10 =	sld [smem:$0x3FB9];
	_ =	sdelay $0x3  }
0x36: {  	p1 =	seq.s32 s10, $0x1;
	s10 =	sld [smem:$0x3FBA];
	_ =	sdelay $0x3  }
0x37: {  	[smem:$0x3FBA] =	sst s10  }
0x38: {  	s10 =	sld [smem:$0x3FBB]  }
0x39: {  	_ = 	snop;
	(pc) =	sbr.ind lr, $3  }
0x3a: {  	_ = 	snop  }
0x3b: {  	_ = 	snop  }
0x3c: {  	p2 =	seq.s32 s10, $0x1;
	s10 =	sld [smem:$0x3FBA]  }
0x3d: {  	_ =	shalt  }
0x3e: {  	_ =	shalt  }
0x3f: {  	_ =	shalt  }
0x40: {  	_ =	shalt  }
0x41: {  	_ =	shalt  }
0x42: {  	_ =	shalt  }
0x43: {  	_ =	shalt  }
0x44: {  	_ =	shalt  }
0x45: {  	_ =	shalt  }
0x46: {  	_ =	shalt  }
0x47: {  	_ =	shalt  }
0x48: {  	_ =	shalt  }
0x49: {  	_ =	shalt  }
0x4a: {  	_ =	shalt  }
0x4b: {  	_ =	shalt  }
0x4c: {  	_ =	shalt  }
0x4d: {  	_ =	shalt  }
0x4e: {  	_ =	shalt  }
0x4f: {  	_ =	shalt  }
0x50: {  	_ =	shalt  }
0x51: {  	_ =	shalt  }
0x52: {  	_ =	shalt  }
0x53: {  	_ =	shalt  }
0x54: {  	_ =	shalt  }
0x55: {  	_ =	shalt  }
0x56: {  	_ =	shalt  }
0x57: {  	_ =	shalt  }
0x58: {  	_ =	shalt  }
0x59: {  	_ =	shalt  }
0x5a: {  	_ =	shalt  }
0x5b: {  	_ =	shalt  }
0x5c: {  	_ =	shalt  }
0x5d: {  	_ =	shalt  }
0x5e: {  	_ =	shalt  }
0x5f: {  	_ =	shalt  }
0x60: {  	_ =	shalt  }
0x61: {  	_ =	shalt  }
0x62: {  	_ =	shalt  }
0x63: {  	_ =	shalt  }
0x64: {  	_ =	shalt  }
0x65: {  	_ =	shalt  }
0x66: {  	_ =	shalt  }
0x67: {  	_ =	shalt  }
0x68: {  	_ =	shalt  }
0x69: {  	_ =	shalt  }
0x6a: {  	_ =	shalt  }
0x6b: {  	_ =	shalt  }
0x6c: {  	_ =	shalt  }
0x6d: {  	_ =	shalt  }
0x6e: {  	_ =	shalt  }
0x6f: {  	_ =	shalt  }
0x70: {  	_ =	shalt  }
0x71: {  	_ =	shalt  }
0x72: {  	_ =	shalt  }
0x73: {  	_ =	shalt  }
0x74: {  	_ =	shalt  }
0x75: {  	_ =	shalt  }
0x76: {  	_ =	shalt  }
0x77: {  	_ =	shalt  }
0x78: {  	_ =	shalt  }
0x79: {  	_ =	shalt  }
0x7a: {  	_ =	shalt  }
0x7b: {  	_ =	shalt  }
0x7c: {  	_ =	shalt  }
0x7d: {  	_ =	shalt  }
0x7e: {  	_ =	shalt  }
0x7f: {  	_ =	shalt  }
0x80: {  	_ =	shalt  }
0x81: {  	_ =	shalt  }
0x82: {  	_ =	shalt  }
0x83: {  	_ =	shalt  }
0x84: {  	_ =	shalt  }
0x85: {  	_ =	shalt  }
0x86: {  	_ =	shalt  }
0x87: {  	_ =	shalt  }
.Lfunc_end0:
.L_simem_size_0:
called_computation_lowered:
.L_overlay_start_0:
0x88: {  	s2 =	sld [smem:$0x3FD9]  }
0x89: {  	s3 =	sld [smem:$0x3FFE];
	_ =	sdelay $0x1  }
0x8a: {  	s1 =	srdreg.scid  }
0x8b: {  	s0 =	sand.u32 $0x1, s1  }
0x8c: {  	s17 =	sshll.u32 s0, $0xA;
	s2 =	sadd.s32 s3, s2  }
0x8d: {  	s2 =	sadd.s32 s2, s17  }
0x8e: {  	[smem:$0x3FC6] =	sst s2  }
0x8f: {  	_ = 	snop  }
0x90: {  	s2 =	sld [smem:$0x3FC9]  }
0x91: {  	s18 =	sld [smem:$0x3FC8];
	(tm) =	ssettm $0x1  }
0x92: {  	s4 =	sld [smem:$0x3FFB];
	_ =	sdelay $0x3  }
0x93: {  	_ =	strace s4  }
0x94: {  	s4 =	sld [smem:$0x3FFC];
	_ =	sdelay $0x3  }
0x95: {  	_ =	strace s4  }
0x96: {  	s4 =	sld [smem:$0x3FFD];
	_ =	sdelay $0x3  }
0x97: {  	_ =	strace s4  }
0x98: {  	_ =	strace $0x8FFFFFFF  }
0x99: {  	s19 =	sld [smem:$0x3FDB];
	_ =	sdelay $0x1  }
0x9a: {  	s5 =	simm.s32 $_scs_section_size  }
0x9b: {  	s6 =	simm.s32 $_size__tile_overlayer_lowered;
	s7 =	simm.s32 $_tile_overlayer_lowered  }
0x9c: {  	s22 =	simm.s32 $0x1BFF;
	s21 =	sshll.u32 s7, $0x1;
	s4 =	sadd.s32 s5, s19  }
0x9d: {  	s8 =	simm.s32 $0x0;
	s20 =	sshll.u32 s6, $0x1;
	s6 =	sadd.s32 s21, s4  }
0x9e: {  	[timem:s8], [sflag:s22] =	dma.local [hbm:s6], s20  }
0x9f: {  	_ =	swait.ge [sflag:s22], s20  }
0xa0: {  	s5 =	ssub.s32 $0x0, s20;
	[sflag:s22] =	ssyncset.done $0x0  }
0xa1: {  	[sflag:s22] =	ssyncadd.s32 s5;
	_ =	sdelay $0x1  }
0xa2: {  	s23 =	simm.s32 $0x1B8B  }
0xa3: {  	_ =	swait.ge [sflag:s23], $0x1  }
0xa4: {  	[sflag:s23] =	ssyncset.done $0x0  }
0xa5: {  	s25 =	simm.s32 $0x1B8E;
	s24 =	sld [smem:$0x3FFE];
	[sflag:s23] =	ssyncadd.s32 $0xFFFFFFFF  }
0xa6: {  	s26 =	simm.s32 $execute0_lowered;
	[smem:$0x3FD2] =	sst s25  }
0xa7: {  	s6 =	sshll.u32 s26, $0x1;
	_ =	strace $0x80000046;
	[dreg:$0x1] =	wrdreg $0xFFFFFFFF  }
0xa8: {  	s28 =	simm.s32 $_size_execute0_lowered;
	s4 =	sadd.s32 s4, s6;
	[dreg:$0x0] =	wrdreg $0x0  }
0xa9: {  	s6 =	sshll.u32 s28, $0x1;
	[dreg:$0x2] =	wrdreg s4  }
0xaa: {  	[dreg:$0x3] =	wrdreg s6  }
0xab: {  	[dreg:$0x4] =	wrdreg $0xC0  }
0xac: {  	_ =	task [dreg:s8], $0x5FFFF  }
0xad: {  	[dreg:$0x1] =	wrdreg $0xFFFFFFFF  }
0xae: {  	[dreg:$0x0] =	wrdreg $0x60  }
0xaf: {  	[dreg:$0x2] =	wrdreg s2  }
0xb0: {  	[dreg:$0x3] =	wrdreg s18  }
0xb1: {  	[dreg:$0x4] =	wrdreg s24  }
0xb2: {  	[dreg:$0x5] =	wrdreg $0x9  }
0xb3: {  	_ =	task.clear_ibuf [dreg:s8], $0x6FFFF;
	_ =	strace $0x90000046  }
0xb4: {  	s29 =	simm.s32 $0x9;
	_ =	strace $0x80000048  }
0xb5: {  	_ =	swait.ge [sflag:s29], $0x1  }
0xb6: {  	[sflag:s29] =	ssyncadd.s32 $0xFFFFFFFF  }
0xb7: {  	_ =	strace $0x90000048  }
0xb8: {  	_ =	sfence  }
0xb9: {  	s30 =	sld [smem:$0x0];
	_ =	sdelay $0x2  }
0xba: {  	s31 =	sshll.u32 s1, $0xD;
	s1 =	sshrl.u32 s1, $0x2  }
0xbb: {  	s3 =	sand.u32 $0x4000, s31;
	s1 =	sadd.s32 s1, s30  }
0xbc: {  	s0 =	sor.u32 s3, s0;
	s1 =	sshll.u32 s1, $0x11  }
0xbd: {  	s0 =	sor.u32 s1, s0  }
0xbe: {  	s0 =	sadd.s32 $0x8F2B, s0  }
0xbf: {  	[sflag:s0] =	ssyncadd.remote.s32 $0x1  }
0xc0: {  	_ =	sfence.sel $0xFFFF  }
0xc1: {  	[dreg:$0x0] =	wrdreg $0xFFFFFFFF;
	(pc) =	sbr.abs _section_cstart, $3  }
0xc2: {  	[dreg:$0x1] =	wrdreg $0xFFFFFFFF  }
0xc3: {  	_ =	task.clear_ibuf [dreg:s8], $0x2FFFF;
	_ =	strace $0x9FFFFFFF  }
0xc4: {  	(tm) =	ssettm $0x7FFFFFFF  }
0xc5: {  	_ =	shalt  }
tec
execute0_lowered:
.L_overlay_start_1:
0x0: {  	(tag) =	ssettag $0x1  }
0x1: {  	s8 =	rddreg [dreg:$0x0]  }
0x2: {  	s0 =	rddreg [dreg:$0x1]  }
0x3: {  	v0 =	vimm.s32 $0xFEDCBA98;
	s4 =	rddreg [dreg:$0x2];
	v1 =	vimm.s32 $0x76543210;
	v2 =	vimm.s32 $0xBA98FEDC  }
0x4: {  	s1 =	simm.s32 $0x0;
	s5 =	srdreg.scid;
	s2 =	stileid.u32;
	v3 =	vimm.s32 $0x32107654;
	v4 =	vimm.s32 $0xDCFE98BA;
	v5 =	vimm.s32 $0x54761032  }
0x5: {  	s3 =	rddreg [dreg:$0x3];
	v6 =	vimm.s32 $0xEFCDAB89;
	v7 =	vimm.s32 $0x67452301;
	s12 =	simm.s32 $0x3;
	s13 =	simm.s32 $0x1000  }
0x6: {  	s14 =	simm.s32 $0x9000;
	s15 =	simm.s32 $0x1;
	s16 =	simm.s32 $0x2;
	v0 =	vunpack.c.l.s4.s8 v0;
	v1 =	vunpack.c.l.s4.s8 v1;
	v2 =	vunpack.c.l.s4.s8 v2  }
0x7: {  	s17 =	simm.s32 $0x11000;
	s5 =	sand.u32 $0x1, s5;
	s6 =	sshll.u32 s2, $0x1;
	v3 =	vunpack.c.l.s4.s8 v3;
	v4 =	vunpack.c.l.s4.s8 v4;
	v5 =	vunpack.c.l.s4.s8 v5  }
0x8: {  	s18 =	simm.s32 $0x0;
	[smem:$0x7FF] =	sst s1;
	v6 =	vunpack.c.l.s4.s8 v6;
	v7 =	vunpack.c.l.s4.s8 v7;
	s6 =	sor.u32 s5, s6;
	v0 =	vunpack.c.0.s8.s32 v0  }
0x9: {  	_ =	strace $0x80000047;
	s5 =	ssub.s32 $0x2, s5;
	s7 =	sshll.u32 s6, $0x4;
	v2 =	vunpack.c.0.s8.s32 v2;
	v3 =	vunpack.c.0.s8.s32 v3;
	v4 =	vunpack.c.0.s8.s32 v4  }
0xa: {  	s6 =	sshll.u32 s6, $0x5;
	s29 =	sshrl.u32 s5, $0x1;
	v5 =	vunpack.c.0.s8.s32 v5;
	v6 =	vunpack.c.0.s8.s32 v6;
	v7 =	vunpack.c.0.s8.s32 v7;
	s10 =	sadd.s32 s7, s4  }
0xb: {  	v1 =	vunpack.c.0.s8.s32 v1;
	s4 =	sor.u32 $0xC00, s6;
	s11 =	ssub.s32 s5, s29;
	s6 =	sadd.s32 $0x1000, s8;
	v2 =	vcombine.low v3, v2  }
0xc: {  	s30 =	sshll.u32 s4, $0x9;
	s31 =	sshll.u32 s4, $0x3;
	v3 =	vcombine.low v5, v4;
	v4 =	vcombine.low v7, v6;
	s10 =	sadd.s32 $0x200, s10;
	v0 =	vand.u32 $0xF, v0  }
0xd: {  	s11 =	smax.u32 s11, $0x1;
	s5 =	sadd.s32 s8, s30;
	s9 =	sand.u32 $0x7C00, s31;
	v0 =	vcombine.low v0, v1  }
0xe: {  	s8 =	sadd.s32 $0x2000, s8;
	s7 =	sadd.s32 $0x1000, s9;
	s9 =	sadd.s32 $0x9000, s9;
	v1 =	vand.u32 $0xF, v2;
	v2 =	vand.u32 $0xF, v3;
	v3 =	vand.u32 $0xF, v4  }
.LBB2_1:
0xf: {  	[tilespmem:s1], [sflag:$0x3] =	stream.linear.gather [hbm4b:s0+s1], $0x1000, $0x38;
	[tilespmem:$0x11080] =	vst v63  }
0x10: {  	_ =	swait.ge [sflag:s12], $0x1000  }
0x11: {  	[sflag:s12] =	ssyncset.done $0x0  }
0x12: {  	p1 =	por $0x1, $0x1;
	s19 =	simm.s32 $0x0;
	[sflag:s12] =	ssyncadd.s32 $0xFFFFF000  }
0x13: {  	v4 =	vimm.f32 $0.0e+00;
	[tilespmem:s13], [sflag:$0x1] =	stream.linear.gather [hbm4b:s5+s1], $0x8000, $0x38;
	[tilespmem:$0x11080] =	vst v63  }
.LBB2_2:
0x14: {  	s19 =	sor.u32 s4, s19  }
0x15: {  	s20 =	sshll.u32 s19, $0x9  }
0x16: {  	s21 =	simm.s32 $0x0;
	s20 =	sadd.s32 s20, s6  }
0x17: {  	[tilespmem:s14], [sflag:$0x2] =	stream.linear.gather [hbm4b:s20+s21], $0x8000, $0x38;
	[tilespmem:$0x11080] =	vst v63  }
0x18: {  	_ =	swait.ge [sflag:s15], $0x8000  }
0x19: {  	s20 =	sand.u32 $0x70, s19;
	[sflag:s15] =	ssyncset.done $0x0  }
0x1a: {  	s23 =	sadd.s32 s20, s7;
	[sflag:s15] =	ssyncadd.s32 $0xFFFF8000  }
0x1b: {  	p0 =	por p1, p1;
	s22 =	simm.s32 $0x1040;
	v6 =	vmov s23;
	v5 =	vld [tilespmem:s19+$0x0]  }
.LBB2_3:
0x1c: {  	v7 =	vld [tilespmem:s22+$0x30]  }
0x1d: {  	v8 =	vld [tilespmem:s22+$0xFFFFFFE0]  }
0x1e: {  	v9 =	vld [tilespmem:s22+$0xFFFFFFD0]  }
0x1f: {  	v10 =	vld [tilespmem:s22+$0xFFFFFFF0]  }
0x20: {  	v11 =	vld [tilespmem:s22+$0x10]  }
0x21: {  	v12 =	vld [tilespmem:s22+$0x20]  }
0x22: {  	v13 =	vld [tilespmem:s22+$0xFFFFFFC0]  }
0x23: {  	s23 =	simm.s32 $0x0;
	v14 =	vld [tilespmem:s22+$0x0]  }
0x24: {  	s25 =	sadd.s32 $0x400, s22;
	v15 =	vld [tilespmem:s23+$0x60]  }
0x25: {  	v20 =	vld [tilespmem:s25+$0xFFFFFFD0]  }
0x26: {  	v16 =	vld [tilespmem:s23+$0x10];
	v7 =	vsub.f32 $0.0e+00, v7  }
0x27: {  	v21 =	vld [tilespmem:s25+$0xFFFFFFF0];
	v8 =	vsub.f32 $0.0e+00, v8;
	v10 =	vsub.f32 $0.0e+00, v10  }
0x28: {  	v17 =	vld [tilespmem:s23+$0x70];
	v11 =	vsub.f32 $0.0e+00, v11;
	v12 =	vsub.f32 $0.0e+00, v12;
	v7 =	vmul.f32 $1.442695020e+00, v7  }
0x29: {  	v22 =	vld [tilespmem:s25+$0x10];
	v9 =	vsub.f32 $0.0e+00, v9;
	v14 =	vsub.f32 $0.0e+00, v14;
	v8 =	vmul.f32 $1.442695020e+00, v8  }
0x2a: {  	v23 =	vld [tilespmem:s25+$0x20];
	v26 =	vsub.f32 $0.0e+00, v20;
	v10 =	vmul.f32 $1.442695020e+00, v10;
	(erf) = vpow2.f32 v7  }
0x2b: {  	v11 =	vmul.f32 $1.442695020e+00, v11;
	(erf) = vpow2.f32 v8;
	v8 =	vsub.f32 $0.0e+00, v13;
	v13 =	vld [tilespmem:s23+$0x0]  }
0x2c: {  	v21 =	vsub.f32 $0.0e+00, v21;
	v12 =	vmul.f32 $1.442695020e+00, v12;
	(erf) = vpow2.f32 v10;
	v10 =	vld [tilespmem:s23+$0x40]  }
0x2d: {  	v7 =	vmov s21;
	v18 =	vmul.f32 $1.442695020e+00, v8;
	(erf) = vpow2.f32 v11;
	v11 =	vld [tilespmem:s23+$0x50]  }
0x2e: {  	v22 =	vsub.f32 $0.0e+00, v22;
	v8 =	vperm.xlane v5, v7;
	(erf) = vpow2.f32 v12;
	v12 =	vld [tilespmem:s23+$0x20]  }
0x2f: {  	v23 =	vsub.f32 $0.0e+00, v23;
	v19 =	vmul.f32 $1.442695020e+00, v9;
	(erf) = vpow2.f32 v18;
	v18 =	vld [tilespmem:s23+$0x30]  }
0x30: {  	v9 =	vimm.f32 $0.0e+00;
	v14 =	vmul.f32 $1.442695020e+00, v14;
	vm1 =	veq.s32 v16, v8;
	v16 =	vld [tilespmem:s25+$0x30]  }
0x31: {  	v21 =	vmul.f32 $1.442695020e+00, v21;
	v30 =	vmul.f32 $1.442695020e+00, v22;
	vm2 =	veq.s32 v13, v8;
	v13 =	vld [tilespmem:s25+$0xFFFFFFC0]  }
0x32: {  	v34 =	vmul.f32 $1.442695020e+00, v23;
	vm4 =	veq.s32 v17, v8;
	(erf) = vpow2.f32 v19;
	v19 =	vld [tilespmem:s25+$0xFFFFFFE0]  }
0x33: {  	v32 =	vld [tilespmem:s25+$0x0];
	vm6 =	veq.s32 v15, v8;
	vm0 =	veq.s32 v10, v8;
	(erf) = vpow2.f32 v14;
	v10 =	vpop (erf)  }
0x34: {  	vm3 =	veq.s32 v11, v8;
	vm5 =	veq.s32 v12, v8;
	v17 =	vnsel vm4, $0x0, v10  }
0x35: {  	v11 =	vpop (erf);
	vm15 =	veq.s32 v18, v8;
	v14 =	vadd.f32 v10, v9;
	v16 =	vsub.f32 $0.0e+00, v16  }
0x36: {  	v12 =	vnsel vm5, $0x0, v11;
	v18 =	vpop (erf);
	v15 =	vadd.f32 v11, v9;
	v24 =	vsub.f32 $0.0e+00, v13  }
0x37: {  	v19 =	vsub.f32 $0.0e+00, v19;
	v11 =	vnsel vm15, $0x0, v18;
	v10 =	vadd.f32 v12, v9  }
0x38: {  	v20 =	vpop (erf);
	v16 =	vmul.f32 $1.442695020e+00, v16;
	v22 =	vadd.f32 v18, v9;
	v18 =	vsub.f32 $0.0e+00, v32  }
0x39: {  	s26 =	simm.s32 $0x80;
	v12 =	vadd.f32 v11, v9;
	v25 =	vnsel vm3, $0x0, v20;
	v11 =	vadd.f32 v17, v9  }
0x3a: {  	v28 =	vld [tilespmem:s26+$0x70];
	v27 =	vpop (erf);
	v33 =	vmul.f32 $1.442695020e+00, v24;
	v20 =	vadd.f32 v20, v9;
	v19 =	vmul.f32 $1.442695020e+00, v19  }
0x3b: {  	v29 =	vld [tilespmem:s26+$0x0];
	v13 =	vnsel vm6, $0x0, v27;
	v17 =	vpop (erf);
	(erf) = vpow2.f32 v16;
	v16 =	vadd.f32 v25, v9  }
0x3c: {  	v24 =	vld [tilespmem:s26+$0x60];
	v35 =	vmul.f32 $1.442695020e+00, v18;
	v31 =	vnsel vm2, $0x0, v17;
	(erf) = vpow2.f32 v19  }
0x3d: {  	v25 =	vld [tilespmem:s26+$0x10];
	v13 =	vadd.f32 v13, v9;
	v19 =	vadd.f32 v27, v9;
	(erf) = vpow2.f32 v21  }
0x3e: {  	v23 =	vadd.f32 v17, v9;
	v27 =	vpop (erf);
	v21 =	vmul.f32 $1.442695020e+00, v26;
	(erf) = vpow2.f32 v30;
	v30 =	vld [tilespmem:s26+$0x40]  }
0x3f: {  	v32 =	vpop (erf);
	v17 =	vadd.f32 v31, v9;
	v31 =	vld [tilespmem:s26+$0x50];
	v26 =	vnsel vm1, $0x0, v27;
	(erf) = vpow2.f32 v34  }
0x40: {  	v36 =	vnsel vm0, $0x0, v32;
	v18 =	vadd.f32 v26, v9;
	(erf) = vpow2.f32 v33;
	v33 =	vld [tilespmem:s26+$0x20]  }
0x41: {  	s24 =	simm.s32 $0x400;
	s23 =	sshll.u32 s21, $0x9;
	s25 =	sadd.s32 $0x400, s25;
	v26 =	vimm.f32 $0.0e+00;
	v34 =	vld [tilespmem:s26+$0x30];
	(erf) = vpow2.f32 v21;
	v21 =	vadd.f32 v36, v9  }
.LBB2_4:
0x42: {  	s26 =	sshra.s32 s24, $0x2;
	v36 =	vld [tilespmem:s25+$0xFFFFFFD0];
	p1 =	sne.s32 s24, $0x3E00;
	s24 =	sadd.s32 $0x200, s24;
	v9 =	vadd.f32 v27, v9;
	v26 =	vadd.f32 v32, v26  }
0x43: {  	vm2 =	veq.s32 v29, v8;
	vm1 =	veq.s32 v25, v8;
	v27 =	vld [tilespmem:s25+$0x30];
	vm0 =	veq.s32 v30, v8  }
0x44: {  	vm4 =	veq.s32 v28, v8;
	v25 =	vld [tilespmem:s25+$0xFFFFFFC0];
	vm3 =	veq.s32 v31, v8;
	(erf) = vpow2.f32 v35;
	v28 =	vpop (erf)  }
0x45: {  	vm6 =	veq.s32 v24, v8;
	v29 =	vld [tilespmem:s25+$0xFFFFFFF0];
	vm5 =	veq.s32 v33, v8;
	v24 =	vnsel vm4, $0x0, v28;
	v30 =	vpop (erf)  }
0x46: {  	v14 =	vadd.f32 v28, v14;
	v31 =	vld [tilespmem:s25+$0xFFFFFFE0];
	v32 =	vnsel vm5, $0x0, v30;
	vm4 =	veq.s32 v34, v8;
	v33 =	vpop (erf)  }
0x47: {  	v15 =	vadd.f32 v30, v15;
	v34 =	vsub.f32 $0.0e+00, v36;
	v28 =	vld [tilespmem:s25+$0x20];
	v30 =	vnsel vm4, $0x0, v33;
	v35 =	vpop (erf)  }
0x48: {  	v10 =	vadd.f32 v32, v10;
	v36 =	vld [tilespmem:s25+$0x10];
	v12 =	vadd.f32 v30, v12;
	v30 =	vnsel vm3, $0x0, v35;
	v37 =	vpop (erf)  }
0x49: {  	v11 =	vadd.f32 v24, v11;
	v25 =	vsub.f32 $0.0e+00, v25;
	v32 =	vnsel vm6, $0x0, v37;
	v38 =	vpop (erf)  }
0x4a: {  	v24 =	vsub.f32 $0.0e+00, v27;
	v39 =	vnsel vm2, $0x0, v38;
	v13 =	vadd.f32 v32, v13;
	v27 =	vpop (erf)  }
0x4b: {  	v20 =	vadd.f32 v35, v20;
	v40 =	vmul.f32 $1.442695020e+00, v25;
	v25 =	vsub.f32 $0.0e+00, v31  }
0x4c: {  	v29 =	vsub.f32 $0.0e+00, v29;
	v31 =	vld [tilespmem:s25+$0x0];
	v35 =	vsub.f32 $0.0e+00, v28;
	v28 =	vmul.f32 $1.442695020e+00, v24  }
0x4d: {  	v16 =	vadd.f32 v30, v16;
	v41 =	vmul.f32 $1.442695020e+00, v25;
	v36 =	vsub.f32 $0.0e+00, v36;
	v24 =	vld [tilespmem:s26+$0x60];
	v32 =	vpop (erf)  }
0x4e: {  	v19 =	vadd.f32 v37, v19;
	v30 =	vmul.f32 $1.442695020e+00, v29;
	v25 =	vld [tilespmem:s26+$0x10];
	(erf) = vpow2.f32 v28  }
0x4f: {  	v22 =	vadd.f32 v33, v22;
	v36 =	vmul.f32 $1.442695020e+00, v36;
	v28 =	vld [tilespmem:s26+$0x70];
	(erf) = vpow2.f32 v41  }
.Ltmp0:
0x50: {  	v23 =	vadd.f32 v38, v23;
	v33 =	vmul.f32 $1.442695020e+00, v35;
	v29 =	vld [tilespmem:s26+$0x0];
	(erf) = vpow2.f32 v30;
	(pc) =	sbr.rel @p1 .LBB2_4-.Ltmp0, $4  }
0x51: {  	v17 =	vadd.f32 v39, v17;
	v30 =	vld [tilespmem:s26+$0x40];
	v35 =	vsub.f32 $0.0e+00, v31;
	(erf) = vpow2.f32 v36  }
0x52: {  	v37 =	vnsel vm1, $0x0, v27;
	v36 =	vmul.f32 $1.442695020e+00, v34;
	v31 =	vld [tilespmem:s26+$0x50];
	(erf) = vpow2.f32 v33  }
0x53: {  	v38 =	vnsel vm0, $0x0, v32;
	v33 =	vld [tilespmem:s26+$0x20];
	v35 =	vmul.f32 $1.442695020e+00, v35;
	(erf) = vpow2.f32 v40  }
0x54: {  	s25 =	sadd.s32 $0x400, s25;
	v18 =	vadd.f32 v37, v18;
	v21 =	vadd.f32 v38, v21;
	v34 =	vld [tilespmem:s26+$0x30];
	(erf) = vpow2.f32 v36  }
0x55: {  	(erf) = vpow2.f32 v35;
	_ =	sdelay $0x1  }
0x56: {  	v45 =	vpop (erf)  }
0x57: {  	v36 =	vpop (erf)  }
0x58: {  	v37 =	vpop (erf)  }
0x59: {  	v26 =	vadd.f32 v32, v26;
	v9 =	vadd.f32 v27, v9;
	v38 =	vpop (erf)  }
0x5a: {  	vm0 =	veq.s32 v28, v8;
	vm12 =	veq.s32 v29, v8;
	vm3 =	veq.s32 v24, v8;
	v39 =	vpop (erf)  }
0x5b: {  	vm15 =	veq.s32 v25, v8;
	v14 =	vadd.f32 v45, v14;
	v15 =	vadd.f32 v36, v15;
	v40 =	vpop (erf)  }
0x5c: {  	vm13 =	veq.s32 v30, v8;
	v22 =	vadd.f32 v37, v22;
	v20 =	vadd.f32 v38, v20;
	v46 =	vpop (erf)  }
0x5d: {  	s23 =	sshrl.u32 s23, $0x2;
	vm14 =	veq.s32 v31, v8;
	v19 =	vadd.f32 v39, v19;
	v23 =	vadd.f32 v40, v23;
	v47 =	vpop (erf)  }
0x5e: {  	v52 =	vld.idx.msk [tilespmem:v6+s23+$0x0 ss:$0x1], $0xffff;
	vm1 =	veq.s32 v33, v8;
	v9 =	vadd.f32 v46, v9;
	v26 =	vadd.f32 v47, v26  }
0x5f: {  	v48 =	vnsel vm0, $0x0, v45;
	v14 =	vadd.f32 v14, v22;
	v15 =	vadd.f32 v19, v15  }
0x60: {  	v49 =	vnsel vm1, $0x0, v36;
	v9 =	vadd.f32 v20, v9;
	v23 =	vadd.f32 v26, v23  }
0x61: {  	vm2 =	veq.s32 v34, v8;
	v11 =	vadd.f32 v48, v11;
	v10 =	vadd.f32 v49, v10  }
0x62: {  	v50 =	vnsel vm2, $0x0, v37;
	v9 =	vadd.f32 v14, v9;
	v15 =	vadd.f32 v15, v23  }
0x63: {  	v12 =	vadd.f32 v50, v12;
	v51 =	vnsel vm14, $0x0, v38;
	v7 =	vperm.xlane v52, v7  }
0x64: {  	v24 =	vnsel vm3, $0x0, v39;
	v16 =	vadd.f32 v51, v16;
	v9 =	vadd.f32 v9, v15  }
0x65: {  	v53 =	vnsel vm12, $0x0, v40;
	v13 =	vadd.f32 v24, v13;
	v7 =	vsub.f32 $0.0e+00, v7  }
0x66: {  	v11 =	vadd.f32 v11, v12;
	v54 =	vnsel vm13, $0x0, v47;
	v57 =	vperm.xlane v9, v0  }
0x67: {  	v8 =	vadd.f32 v53, v17;
	v56 =	vnsel vm15, $0x0, v46;
	v55 =	vadd.f32 v54, v21  }
0x68: {  	v15 =	vadd.f32 v56, v18;
	v9 =	vadd.f32 v57, v9  }
0x69: {  	v10 =	vadd.f32 v13, v10;
	v8 =	vadd.f32 v55, v8  }
0x6a: {  	v7 =	vmul.f32 $1.442695020e+00, v7;
	v58 =	vadd.f32 v16, v15;
	v59 =	vperm.xlane v9, v1  }
0x6b: {  	v8 =	vadd.f32 v10, v8  }
0x6c: {  	(erf) = vpow2.f32 v7;
	v60 =	vadd.f32 v11, v58;
	v7 =	vadd.f32 v59, v9;
	_ =	sdelay $0x1  }
0x6d: {  	v8 =	vadd.f32 v60, v8;
	v9 =	vperm.xlane v7, v2;
	_ =	sdelay $0x1  }
0x6e: {  	v61 =	vperm.xlane v8, v0;
	v7 =	vadd.f32 v9, v7;
	_ =	sdelay $0x1  }
0x6f: {  	v8 =	vadd.f32 v61, v8;
	v62 =	vperm.xlane v7, v3;
	_ =	sdelay $0x1  }
0x70: {  	v9 =	vperm.xlane v8, v1;
	v7 =	vadd.f32 v62, v7  }
0x71: {  	v63 =	vpop (erf)  }
0x72: {  	v8 =	vadd.f32 v9, v8;
	v7 =	vsub.f32 v7, v63;
	_ =	sdelay $0x1  }
0x73: {  	v9 =	vperm.xlane v8, v2;
	(erf) = vrcp.f32 v7;
	_ =	sdelay $0x1  }
0x74: {  	v7 =	vadd.f32 v9, v8;
	_ =	sdelay $0x1  }
0x75: {  	v8 =	vperm.xlane v7, v3;
	_ =	sdelay $0x1  }
0x76: {  	s21 =	sadd.s32 $0x1, s21;
	v7 =	vadd.f32 v8, v7  }
0x77: {  	p1 =	sne.s32 s21, $0x8  }
.Ltmp1:
0x78: {  	v7 =	vsub.f32 v7, v63;
	(pc) =	sbr.rel @p1 .LBB2_3-.Ltmp1, $3  }
0x79: {  	v8 =	vpop (erf)  }
0x7a: {  	v7 =	vmul.f32 v7, v8;
	_ =	sdelay $0x1  }
0x7b: {  	s22 =	sadd.s32 $0x80, s22;
	v4 =	vadd.f32 v7, v4  }
0x7c: {  	p1 =	slt.s32 s19, $0xFE8;
	s21 =	smov.u32 s19  }
0x7d: {  	s21 =	simm.s32 @!p1 $0xFE8  }
0x7e: {  	s21 =	sshll.u32 s21, $0x9  }
0x7f: {  	s22 =	simm.s32 $0x1000;
	s23 =	sadd.s32 s21, s8;
	s21 =	simm.s32 $0x0  }
0x80: {  	[tilespmem:s22], [sflag:$0x1] =	stream.linear.gather [hbm4b:s23+s21], $0x8000, $0x38;
	[tilespmem:$0x11080] =	vst v63  }
0x81: {  	_ =	swait.ge [sflag:s16], $0x8000  }
0x82: {  	[sflag:s16] =	ssyncset.done $0x0  }
0x83: {  	s20 =	sadd.s32 s20, s9;
	[sflag:s16] =	ssyncadd.s32 $0xFFFF8000  }
0x84: {  	v6 =	vmov s20;
	v5 =	vld [tilespmem:s19+$0x0]  }
.LBB2_7:
0x85: {  	v9 =	vmov s22;
	_ =	sdelay $0x1  }
0x86: {  	s20 =	simm.s32 $0x40  }
0x87: {  	v15 =	vld [tilespmem:s20+$0x30]  }
0x88: {  	s19 =	simm.s32 $0x0;
	v17 =	vld [tilespmem:s20+$0x20]  }
0x89: {  	v7 =	vld.idx.msk [tilespmem:v9+s19+$0x8070 ss:$0x1], $0xffff  }
0x8a: {  	v8 =	vld.idx.msk [tilespmem:v9+s19+$0x8060 ss:$0x1], $0xffff  }
0x8b: {  	v10 =	vld.idx.msk [tilespmem:v9+s19+$0x8040 ss:$0x1], $0xffff  }
0x8c: {  	v11 =	vld.idx.msk [tilespmem:v9+s19+$0x8050 ss:$0x1], $0xffff  }
0x8d: {  	v12 =	vld.idx.msk [tilespmem:v9+s19+$0x8020 ss:$0x1], $0xffff  }
0x8e: {  	v18 =	vld [tilespmem:s20+$0xFFFFFFC0]  }
0x8f: {  	v13 =	vld.idx.msk [tilespmem:v9+s19+$0x8000 ss:$0x1], $0xffff;
	v7 =	vsub.f32 $0.0e+00, v7  }
0x90: {  	v19 =	vld [tilespmem:s20+$0x10];
	v8 =	vsub.f32 $0.0e+00, v8;
	v10 =	vsub.f32 $0.0e+00, v10  }
0x91: {  	v20 =	vld [tilespmem:s20+$0xFFFFFFF0];
	v11 =	vsub.f32 $0.0e+00, v11;
	v7 =	vmul.f32 $1.442695020e+00, v7  }
0x92: {  	s31 =	simm.s32 $0x400;
	v14 =	vld.idx.msk [tilespmem:v9+s19+$0x8010 ss:$0x1], $0xffff;
	v12 =	vsub.f32 $0.0e+00, v12;
	v8 =	vmul.f32 $1.442695020e+00, v8;
	v10 =	vmul.f32 $1.442695020e+00, v10  }
0x93: {  	v22 =	vld.idx.msk [tilespmem:v9+s31+$0x8070 ss:$0x1], $0xffff;
	(erf) = vpow2.f32 v7;
	v7 =	vmul.f32 $1.442695020e+00, v11  }
0x94: {  	v11 =	vsub.f32 $0.0e+00, v13;
	(erf) = vpow2.f32 v8;
	v8 =	vmul.f32 $1.442695020e+00, v12;
	v12 =	vld [tilespmem:s20+$0xFFFFFFE0]  }
0x95: {  	s30 =	sor.u32 $0x8, s21;
	v16 =	vld.idx.msk [tilespmem:v9+s19+$0x8030 ss:$0x1], $0xffff;
	(erf) = vpow2.f32 v10  }
0x96: {  	v30 =	vld.idx.msk [tilespmem:v9+s31+$0x8010 ss:$0x1], $0xffff;
	v10 =	vmul.f32 $1.442695020e+00, v11;
	(erf) = vpow2.f32 v7;
	v7 =	vmov s30  }
0x97: {  	v21 =	vld [tilespmem:s20+$0x0];
	(erf) = vpow2.f32 v8;
	v8 =	vperm.xlane v5, v7  }
0x98: {  	v14 =	vsub.f32 $0.0e+00, v14;
	v11 =	vld [tilespmem:s20+$0xFFFFFFD0]  }
0x99: {  	v22 =	vsub.f32 $0.0e+00, v22;
	(erf) = vpow2.f32 v10;
	vm3 =	veq.s32 v12, v8;
	v12 =	vld.idx.msk [tilespmem:v9+s31+$0x8040 ss:$0x1], $0xffff  }
0x9a: {  	v10 =	vmul.f32 $1.442695020e+00, v14;
	v14 =	vsub.f32 $0.0e+00, v16;
	vm7 =	veq.s32 v15, v8;
	v15 =	vld.idx.msk [tilespmem:v9+s31+$0x8060 ss:$0x1], $0xffff  }
0x9b: {  	v37 =	vsub.f32 $0.0e+00, v30;
	v22 =	vmul.f32 $1.442695020e+00, v22;
	vm4 =	veq.s32 v19, v8;
	v19 =	vld.idx.msk [tilespmem:v9+s31+$0x8050 ss:$0x1], $0xffff  }
0x9c: {  	v13 =	vimm.f32 $0.0e+00;
	vm0 =	veq.s32 v20, v8;
	v20 =	vld.idx.msk [tilespmem:v9+s31+$0x8020 ss:$0x1], $0xffff;
	v14 =	vmul.f32 $1.442695020e+00, v14  }
0x9d: {  	vm2 =	veq.s32 v18, v8;
	vm1 =	veq.s32 v11, v8;
	(erf) = vpow2.f32 v10;
	v11 =	vpop (erf)  }
0x9e: {  	vm5 =	veq.s32 v21, v8;
	vm6 =	veq.s32 v17, v8;
	(erf) = vpow2.f32 v14;
	v10 =	vpop (erf)  }
0x9f: {  	v21 =	vnsel vm7, $0x0, v11;
	v17 =	vadd.f32 v11, v13;
	v16 =	vadd.f32 v10, v13  }
0xa0: {  	v27 =	vld.idx.msk [tilespmem:v9+s31+$0x8000 ss:$0x1], $0xffff;
	v10 =	vnsel vm6, $0x0, v10;
	v24 =	vpop (erf);
	v28 =	vsub.f32 $0.0e+00, v12;
	v31 =	vsub.f32 $0.0e+00, v15  }
0xa1: {  	v19 =	vsub.f32 $0.0e+00, v19;
	v34 =	vsub.f32 $0.0e+00, v20;
	v11 =	vnsel vm5, $0x0, v24  }
0xa2: {  	v33 =	vld.idx.msk [tilespmem:v9+s31+$0x8030 ss:$0x1], $0xffff;
	(erf) = vpow2.f32 v22;
	v10 =	vadd.f32 v10, v13;
	v23 =	vpop (erf);
	v11 =	vadd.f32 v11, v13  }
0xa3: {  	s19 =	simm.s32 $0xC0;
	v18 =	vadd.f32 v23, v13;
	v23 =	vnsel vm4, $0x0, v23;
	v26 =	vpop (erf);
	v28 =	vmul.f32 $1.442695020e+00, v28  }
0xa4: {  	v25 =	vld [tilespmem:s19+$0x30];
	v19 =	vmul.f32 $1.442695020e+00, v19;
	v35 =	vmul.f32 $1.442695020e+00, v31;
	v29 =	vnsel vm3, $0x0, v26  }
0xa5: {  	v32 =	vld [tilespmem:s19+$0xFFFFFFC0];
	v20 =	vadd.f32 v26, v13;
	v26 =	vsub.f32 $0.0e+00, v27;
	v27 =	vmul.f32 $1.442695020e+00, v34  }
0xa6: {  	v36 =	vld [tilespmem:s19+$0xFFFFFFE0];
	v12 =	vadd.f32 v23, v13;
	(erf) = vpow2.f32 v35;
	v35 =	vmul.f32 $1.442695020e+00, v37  }
0xa7: {  	v30 =	vld [tilespmem:s19+$0xFFFFFFF0];
	v37 =	vsub.f32 $0.0e+00, v33;
	v23 =	vpop (erf);
	v38 =	vmul.f32 $1.442695020e+00, v26;
	(erf) = vpow2.f32 v28  }
0xa8: {  	v31 =	vld [tilespmem:s19+$0x10];
	v28 =	vimm.f32 $0.0e+00;
	v15 =	vnsel vm2, $0x0, v23;
	v23 =	vadd.f32 v23, v13  }
0xa9: {  	v34 =	vld [tilespmem:s19+$0xFFFFFFD0];
	v63 =	vpop (erf);
	(erf) = vpow2.f32 v19;
	v14 =	vadd.f32 v15, v13;
	v15 =	vadd.f32 v29, v13  }
0xaa: {  	v33 =	vld [tilespmem:s19+$0x0];
	v22 =	vadd.f32 v63, v13;
	v26 =	vnsel vm1, $0x0, v63;
	(erf) = vpow2.f32 v27  }
0xab: {  	s20 =	simm.s32 $0x2000;
	v29 =	vld [tilespmem:s19+$0x20];
	v27 =	vimm.f32 $0.0e+00;
	v19 =	vadd.f32 v26, v13;
	v26 =	vimm.f32 $0.0e+00  }
.LBB2_8:
0xac: {  	s23 =	sshra.s32 s20, $0x2;
	p1 =	sne.s32 s20, $0x1F000;
	s20 =	sadd.s32 $0x1000, s20;
	(erf) = vpow2.f32 v38;
	v13 =	vadd.f32 v24, v13;
	v28 =	vadd.f32 v21, v28;
	v21 =	vpop (erf)  }
0xad: {  	v38 =	vld.idx.msk [tilespmem:v9+s23+$0x8070 ss:$0x1], $0xffff;
	v27 =	vadd.f32 v21, v27;
	v21 =	vnsel vm0, $0x0, v21  }
0xae: {  	vm0 =	veq.s32 v30, v8;
	v39 =	vld.idx.msk [tilespmem:v9+s23+$0x8060 ss:$0x1], $0xffff;
	vm3 =	veq.s32 v36, v8;
	v26 =	vadd.f32 v21, v26  }
0xaf: {  	vm2 =	veq.s32 v32, v8;
	vm4 =	veq.s32 v31, v8;
	v30 =	vld.idx.msk [tilespmem:v9+s23+$0x8040 ss:$0x1], $0xffff;
	vm1 =	veq.s32 v34, v8  }
0xb0: {  	vm6 =	veq.s32 v29, v8;
	vm7 =	veq.s32 v25, v8;
	v31 =	vld.idx.msk [tilespmem:v9+s23+$0x8050 ss:$0x1], $0xffff;
	vm5 =	veq.s32 v33, v8;
	v24 =	vpop (erf)  }
0xb1: {  	v32 =	vmul.f32 $1.442695020e+00, v37;
	v29 =	vld.idx.msk [tilespmem:v9+s23+$0x8020 ss:$0x1], $0xffff;
	v21 =	vnsel vm7, $0x0, v24;
	(erf) = vpow2.f32 v35;
	v25 =	vpop (erf)  }
0xb2: {  	v17 =	vadd.f32 v24, v17;
	v16 =	vadd.f32 v25, v16;
	v35 =	vnsel vm6, $0x0, v25;
	v24 =	vpop (erf)  }
0xb3: {  	v33 =	vsub.f32 $0.0e+00, v38;
	v36 =	vnsel vm5, $0x0, v24;
	v10 =	vadd.f32 v35, v10;
	v25 =	vpop (erf)  }
0xb4: {  	v35 =	vld.idx.msk [tilespmem:v9+s23+$0x8000 ss:$0x1], $0xffff;
	v11 =	vadd.f32 v36, v11;
	v18 =	vadd.f32 v25, v18;
	v25 =	vnsel vm4, $0x0, v25;
	v34 =	vpop (erf)  }
0xb5: {  	s19 =	sadd.s32 $0x80, s19;
	v30 =	vsub.f32 $0.0e+00, v30;
	v36 =	vld.idx.msk [tilespmem:v9+s23+$0x8010 ss:$0x1], $0xffff;
	v37 =	vnsel vm3, $0x0, v34;
	v12 =	vadd.f32 v25, v12;
	v40 =	vpop (erf)  }
0xb6: {  	v38 =	vsub.f32 $0.0e+00, v39;
	v25 =	vld [tilespmem:s19+$0x30];
	v39 =	vnsel vm2, $0x0, v40;
	(erf) = vpow2.f32 v32  }
0xb7: {  	v42 =	vmul.f32 $1.442695020e+00, v30;
	v30 =	vsub.f32 $0.0e+00, v31;
	v41 =	vld.idx.msk [tilespmem:v9+s23+$0x8030 ss:$0x1], $0xffff;
	v14 =	vadd.f32 v39, v14  }
0xb8: {  	v44 =	vmul.f32 $1.442695020e+00, v33;
	v31 =	vsub.f32 $0.0e+00, v29;
	v15 =	vadd.f32 v37, v15;
	v29 =	vld [tilespmem:s19+$0x20]  }
0xb9: {  	v20 =	vadd.f32 v34, v20;
	v37 =	vmul.f32 $1.442695020e+00, v38;
	v39 =	vmul.f32 $1.442695020e+00, v30;
	v32 =	vld [tilespmem:s19+$0xFFFFFFC0]  }
.Ltmp2:
0xba: {  	v43 =	vmul.f32 $1.442695020e+00, v31;
	v34 =	vsub.f32 $0.0e+00, v35;
	v31 =	vld [tilespmem:s19+$0x10];
	(erf) = vpow2.f32 v44;
	v33 =	vpop (erf);
	(pc) =	sbr.rel @p1 .LBB2_8-.Ltmp2, $4  }
0xbb: {  	v35 =	vsub.f32 $0.0e+00, v36;
	v30 =	vld [tilespmem:s19+$0xFFFFFFF0];
	(erf) = vpow2.f32 v37;
	v22 =	vadd.f32 v33, v22  }
0xbc: {  	v38 =	vmul.f32 $1.442695020e+00, v34;
	v36 =	vld [tilespmem:s19+$0xFFFFFFE0];
	(erf) = vpow2.f32 v42;
	v42 =	vnsel vm1, $0x0, v33  }
0xbd: {  	v35 =	vmul.f32 $1.442695020e+00, v35;
	v37 =	vsub.f32 $0.0e+00, v41;
	v34 =	vld [tilespmem:s19+$0xFFFFFFD0];
	(erf) = vpow2.f32 v39  }
0xbe: {  	v23 =	vadd.f32 v40, v23;
	v19 =	vadd.f32 v42, v19;
	v33 =	vld [tilespmem:s19+$0x0];
	(erf) = vpow2.f32 v43  }
0xbf: {  	(erf) = vpow2.f32 v38;
	v9 =	vmul.f32 $1.442695020e+00, v37  }
0xc0: {  	(erf) = vpow2.f32 v35  }
0xc1: {  	v63 =	vpop (erf);
	(erf) = vpow2.f32 v9;
	_ =	sdelay $0x1  }
0xc2: {  	v40 =	vpop (erf)  }
0xc3: {  	v41 =	vpop (erf)  }
0xc4: {  	v13 =	vadd.f32 v24, v13;
	v42 =	vpop (erf)  }
0xc5: {  	v21 =	vadd.f32 v21, v28;
	vm2 =	veq.s32 v32, v8;
	v43 =	vnsel vm0, $0x0, v63;
	v44 =	vpop (erf)  }
0xc6: {  	vm3 =	veq.s32 v25, v8;
	v27 =	vadd.f32 v63, v27;
	v24 =	vadd.f32 v43, v26;
	v45 =	vpop (erf)  }
0xc7: {  	vm13 =	veq.s32 v29, v8;
	v9 =	vadd.f32 v40, v17;
	v16 =	vadd.f32 v41, v16;
	v46 =	vpop (erf)  }
0xc8: {  	vm14 =	veq.s32 v31, v8;
	s19 =	sshll.u32 s21, $0x7;
	v13 =	vadd.f32 v42, v13;
	v18 =	vadd.f32 v44, v18;
	v48 =	vpop (erf)  }
0xc9: {  	s19 =	sand.u32 $0x3FFFFF80, s19;
	vm15 =	veq.s32 v30, v8;
	v20 =	vadd.f32 v45, v20;
	v23 =	vadd.f32 v46, v23;
	v49 =	vpop (erf)  }
0xca: {  	vm12 =	veq.s32 v36, v8;
	v52 =	vld.idx.msk [tilespmem:v6+s19+$0x0 ss:$0x1], $0xffff;
	v22 =	vadd.f32 v48, v22;
	v27 =	vadd.f32 v49, v27  }
0xcb: {  	vm1 =	veq.s32 v34, v8;
	v16 =	vadd.f32 v16, v20;
	v13 =	vadd.f32 v13, v23  }
0xcc: {  	v47 =	vnsel vm3, $0x0, v40;
	v18 =	vadd.f32 v18, v22;
	v9 =	vadd.f32 v9, v27  }
0xcd: {  	vm4 =	veq.s32 v33, v8;
	v29 =	vnsel vm13, $0x0, v41;
	v56 =	vadd.f32 v47, v21  }
0xce: {  	v50 =	vnsel vm4, $0x0, v42;
	v13 =	vadd.f32 v16, v13;
	v9 =	vadd.f32 v9, v18  }
0xcf: {  	v10 =	vadd.f32 v29, v10;
	v7 =	vperm.xlane v52, v7;
	v11 =	vadd.f32 v50, v11  }
0xd0: {  	v51 =	vnsel vm14, $0x0, v44;
	v54 =	vnsel vm12, $0x0, v45;
	v9 =	vadd.f32 v9, v13  }
0xd1: {  	v12 =	vadd.f32 v51, v12;
	v7 =	vsub.f32 $0.0e+00, v7;
	v53 =	vnsel vm2, $0x0, v46  }
0xd2: {  	v15 =	vadd.f32 v54, v15;
	v55 =	vnsel vm1, $0x0, v48;
	v58 =	vperm.xlane v9, v0  }
0xd3: {  	v14 =	vadd.f32 v53, v14;
	v8 =	vadd.f32 v55, v19;
	v57 =	vnsel vm15, $0x0, v49  }
0xd4: {  	v16 =	vadd.f32 v57, v24;
	v9 =	vadd.f32 v58, v9  }
0xd5: {  	v7 =	vmul.f32 $1.442695020e+00, v7;
	v10 =	vadd.f32 v10, v15;
	v11 =	vadd.f32 v11, v14  }
0xd6: {  	v8 =	vadd.f32 v12, v8;
	v59 =	vadd.f32 v56, v16;
	v60 =	vperm.xlane v9, v1  }
0xd7: {  	v10 =	vadd.f32 v10, v11  }
0xd8: {  	(erf) = vpow2.f32 v7;
	v8 =	vadd.f32 v59, v8;
	v7 =	vadd.f32 v60, v9;
	_ =	sdelay $0x1  }
0xd9: {  	v8 =	vadd.f32 v8, v10;
	v9 =	vperm.xlane v7, v2;
	_ =	sdelay $0x1  }
0xda: {  	v61 =	vperm.xlane v8, v0;
	v7 =	vadd.f32 v9, v7;
	_ =	sdelay $0x1  }
0xdb: {  	v8 =	vadd.f32 v61, v8;
	v62 =	vperm.xlane v7, v3;
	_ =	sdelay $0x1  }
0xdc: {  	v9 =	vperm.xlane v8, v1;
	v7 =	vadd.f32 v62, v7  }
0xdd: {  	v63 =	vpop (erf)  }
0xde: {  	v8 =	vadd.f32 v9, v8;
	v7 =	vsub.f32 v7, v63;
	_ =	sdelay $0x1  }
0xdf: {  	v9 =	vperm.xlane v8, v2;
	(erf) = vrcp.f32 v7;
	_ =	sdelay $0x1  }
0xe0: {  	v7 =	vadd.f32 v9, v8;
	_ =	sdelay $0x1  }
0xe1: {  	v8 =	vperm.xlane v7, v3;
	_ =	sdelay $0x1  }
0xe2: {  	s21 =	sadd.s32 $0x1, s21;
	v7 =	vadd.f32 v8, v7  }
0xe3: {  	p1 =	sne.s32 s21, $0x8  }
.Ltmp3:
0xe4: {  	v7 =	vsub.f32 v7, v63;
	(pc) =	sbr.rel @p1 .LBB2_7-.Ltmp3, $3  }
0xe5: {  	v8 =	vpop (erf)  }
0xe6: {  	v7 =	vmul.f32 v7, v8;
	_ =	sdelay $0x1  }
0xe7: {  	s22 =	sadd.s32 $0x80, s22;
	v4 =	vadd.f32 v7, v4  }
.Ltmp4:
0xe8: {  	(pc) =	sbr.rel @p0 .LBB2_2-.Ltmp4, $2  }
0xe9: {  	_ =	sdelay $0x2  }
0xea: {  	s19 =	simm.s32 $0x10;
	p1 =	por $0x0, $0x0  }
0xeb: {  	_ =	swait.ge [sflag:s15], $0x8000  }
0xec: {  	s18 =	sadd.s32 $0x1, s18;
	[sflag:s15] =	ssyncset.done $0x0  }
0xed: {  	p0 =	sne.s32 s18, s11;
	[sflag:s15] =	ssyncadd.s32 $0xFFFF8000  }
.Ltmp5:
0xee: {  	[tilespmem:$0x11000] =	vst v4;
	(pc) =	sbr.rel @p0 .LBB2_1-.Ltmp5, $4  }
0xef: {  	[hbm4b:s10+s1] =	stream.linear.scatter [tilespmem:s17], [sflag:$0x3], $0x80, $0x38;
	[tilespmem:$0x11080] =	vst v63  }
0xf0: {  	_ =	swait.ge [sflag:s12], $0x80  }
0xf1: {  	[sflag:s12] =	ssyncset.done $0x0  }
0xf2: {  	[sflag:s12] =	ssyncadd.s32 $0xFFFFFF80  }
0xf3: {  	_ =	sfence.sel $0x180000  }
0xf4: {  	[bflag:$0x0] =	sbarrier.arrive $0xFFFF  }
0xf5: {  	p0 =	sne.s32 s2, $0x0;
	_ =	strace $0x90000047  }
0xf6: {  	s0 =	sadd.s32 @!p0 $0x100000, s3;
	[bflag:$0x2] =	sbarrier.arrive $0xFFFF  }
0xf7: {  	[sflag:s0] =	ssyncadd.tile.s32 @!p0 $0x1;
	_ =	shalt  }
.Lfunc_end2:
_tile_overlayer_lowered:
.L_overlay_start_2:
0xf8: {  	(tag) =	ssettag $0x2  }
0xf9: {  	s0 =	rddreg [dreg:$0x0];
	s2 =	stileid.u32  }
0xfa: {  	s1 =	rddreg [dreg:$0x1];
	p0 =	sne.s32 s2, $0x0  }
0xfb: {  	s3 =	rddreg [dreg:$0x2];
	[bflag:$0x3] =	sbarrier.arrive $0xFFFF;
	s2 =	simm.s32 @!p0 $0x1C03  }
0xfc: {  	[timem:s3], [sflag:s2] =	dma.local @!p0 [hbm:s0], s1  }
0xfd: {  	s0 =	simm.s32 @!p0 $0x3  }
0xfe: {  	_ =	swait.ge @!p0 [sflag:s0], s1  }
0xff: {  	s1 =	ssub.s32 @!p0 $0x0, s1;
	[sflag:s0] =	ssyncset.done @!p0 $0x0  }
0x100: {  	[sflag:s0] =	ssyncadd.s32 @!p0 s1  }
0x101: {  	[bflag:$0x3] =	sbarrier.arrive $0xFFFF  }
0x102: {  	_ =	shalt  }

</sc_bundles>
